<compile_context>
chip_gen: v7x
topology: tpu7x:2x2x1
jax: 0.10.2.dev20260603
libtpu: 0.0.44.dev20260713+nightly
codegen_flags: <defaults>
</compile_context>

<pallas_src>
import dataclasses
import functools

import jax
import jax.numpy as jnp
from jax.experimental import pallas as pl
from jax.experimental.pallas import tpu as pltpu
from jax.experimental.pallas import tpu_sc as plsc

CP = 64
NCHAN = 96
NPIX = 512 * 512
CHUNK = 16384
LANES = 16


def _sc_call(cmc2, par2, img2):
    nrows = img2.shape[0]
    mesh = plsc.VectorSubcoreMesh(core_axis_name="c", subcore_axis_name="s")
    cp_params = pltpu.CompilerParams()
    if "needs_layout_passes" in pltpu.CompilerParams.__dataclass_fields__:
        cp_params = dataclasses.replace(cp_params, needs_layout_passes=False)

    @functools.partial(
        pl.kernel,
        out_type=jax.ShapeDtypeStruct((nrows, NPIX), jnp.float32),
        mesh=mesh,
        scratch_types=[pltpu.VMEM((2 * CP,), jnp.float32),
                       pltpu.VMEM((CP,), jnp.int32)],
        compiler_params=cp_params,
    )
    def run(cmc_hbm, par_hbm, img_hbm, out_hbm, ytab_ref, ptab_ref):
        def body(cmc_v, par_v, img_v, out_v):
            lane = jax.lax.iota(jnp.int32, LANES)
            for t in range(CP // LANES):
                sl = pl.ds(t * LANES, LANES)
                ytab_ref[sl] = cmc_v[0, sl] + par_v[0, sl] * 0.04
            for t in range(CP // LANES):
                base = t * LANES
                nxt = jnp.minimum(lane + (base + 1), CP - 1)
                ynext = plsc.load_gather(ytab_ref, [nxt])
                ytab_ref[pl.ds(CP + base, LANES)] = (
                    ynext - ytab_ref[pl.ds(base, LANES)])
            for t in range(CP // LANES):
                sl = pl.ds(t * LANES, LANES)
                yb = plsc.bitcast(ytab_ref[sl], jnp.int32)
                db = plsc.bitcast(ytab_ref[pl.ds(CP + t * LANES, LANES)],
                                  jnp.int32)
                rnd = jnp.int32(0x8000)
                ptab_ref[sl] = (
                    jax.lax.shift_right_logical(yb + rnd, 16)
                    | ((db + rnd) & jnp.int32(-65536)))

            @plsc.parallel_loop(0, CHUNK, step=LANES, unroll=6)
            def _(c0):
                sl = pl.ds(c0, LANES)
                x = img_v[0, sl]
                v = x * 63.0
                i = v.astype(jnp.int32)
                coeff = v - i.astype(jnp.float32)
                g = plsc.load_gather(ptab_ref, [i])
                y0 = plsc.bitcast(jax.lax.shift_left(g, 16), jnp.float32)
                d = plsc.bitcast(g, jnp.float32)
                out_v[0, sl] = y0 + coeff * d

        pltpu.emit_pipeline(
            body,
            grid=(nrows, NPIX // CHUNK),
            in_specs=[
                pl.BlockSpec((1, CP), lambda i, j: (i, 0)),
                pl.BlockSpec((1, CP), lambda i, j: (i, 0)),
                pl.BlockSpec((1, CHUNK), lambda i, j: (i, j)),
            ],
            out_specs=[pl.BlockSpec((1, CHUNK), lambda i, j: (i, j))],
            core_axis_name=("c", "s"),
            dimension_semantics=(pltpu.PARALLEL, pltpu.PARALLEL),
        )(cmc_hbm, par_hbm, img_hbm, out_hbm)

    return run(cmc2, par2, img2)


ROWS_PER_W = 3
NCHUNK = NPIX // CHUNK


def _sc_call_manual(cmc2, par2, img2):
    mesh = plsc.VectorSubcoreMesh(core_axis_name="c", subcore_axis_name="s")
    cp_params = pltpu.CompilerParams()
    if "needs_layout_passes" in pltpu.CompilerParams.__dataclass_fields__:
        cp_params = dataclasses.replace(cp_params, needs_layout_passes=False)
    nk = ROWS_PER_W * NCHUNK

    @functools.partial(
        pl.kernel,
        out_type=jax.ShapeDtypeStruct((NCHAN * NPIX,), jnp.float32),
        mesh=mesh,
        scratch_types=[
            pltpu.VMEM((CHUNK,), jnp.float32),
            pltpu.VMEM((CHUNK,), jnp.float32),
            pltpu.VMEM((CHUNK,), jnp.float32),
            pltpu.VMEM((CHUNK,), jnp.float32),
            pltpu.VMEM((ROWS_PER_W * CP,), jnp.float32),
            pltpu.VMEM((ROWS_PER_W * CP,), jnp.float32),
            pltpu.VMEM((2 * CP,), jnp.float32),
            pltpu.VMEM((ROWS_PER_W * CP,), jnp.int32),
            pltpu.SemaphoreType.DMA,
            pltpu.SemaphoreType.DMA,
            pltpu.SemaphoreType.DMA,
            pltpu.SemaphoreType.DMA,
        ],
        compiler_params=cp_params,
    )
    def run(cmc_hbm, par_hbm, img_hbm, out_hbm,
            in0, in1, ou0, ou1, cmcb, parb, ytab, ptab,
            si0, si1, so0, so1):
        inb, oub = (in0, in1), (ou0, ou1)
        sin, sout = (si0, si1), (so0, so1)
        wid = jax.lax.axis_index("s") * 2 + jax.lax.axis_index("c")
        row0 = wid * ROWS_PER_W
        pltpu.sync_copy(cmc_hbm.at[pl.ds(row0 * CP, ROWS_PER_W * CP)], cmcb)
        pltpu.sync_copy(par_hbm.at[pl.ds(row0 * CP, ROWS_PER_W * CP)], parb)

        lane = jax.lax.iota(jnp.int32, LANES)
        for r in range(ROWS_PER_W):
            for t in range(CP // LANES):
                sl = pl.ds(t * LANES, LANES)
                rsl = pl.ds(r * CP + t * LANES, LANES)
                ytab[sl] = cmcb[rsl] + parb[rsl] * 0.04
            for t in range(CP // LANES):
                base = t * LANES
                nxt = jnp.minimum(lane + (base + 1), CP - 1)
                ynext = plsc.load_gather(ytab, [nxt])
                ytab[pl.ds(CP + base, LANES)] = (
                    ynext - ytab[pl.ds(base, LANES)])
            rnd = jnp.int32(0x8000)
            for t in range(CP // LANES):
                sl = pl.ds(t * LANES, LANES)
                yb = plsc.bitcast(ytab[sl], jnp.int32)
                db = plsc.bitcast(ytab[pl.ds(CP + t * LANES, LANES)],
                                  jnp.int32)
                ptab[pl.ds(r * CP + t * LANES, LANES)] = (
                    jax.lax.shift_right_logical(yb + rnd, 16)
                    | ((db + rnd) & jnp.int32(-65536)))

        def in_copy(k, b):
            return pltpu.make_async_copy(
                img_hbm.at[pl.ds(row0 * NPIX + k * CHUNK, CHUNK)],
                inb[b], sin[b])

        def out_copy(k, b):
            return pltpu.make_async_copy(
                oub[b], out_hbm.at[pl.ds(row0 * NPIX + k * CHUNK, CHUNK)],
                sout[b])

        in_copy(0, 0).start()
        in_copy(1, 1).start()

        @pl.loop(0, nk, step=2)
        def _(kk):
            for b in range(2):
                k = kk + b
                bias = (k // NCHUNK) * CP
                in_copy(k, b).wait()

                @pl.when(kk > 0)
                def _():
                    out_copy(k - 2, b).wait()

                src, dst = inb[b], oub[b]

                @plsc.parallel_loop(0, CHUNK, step=LANES, unroll=6)
                def _(c0):
                    sl = pl.ds(c0, LANES)
                    x = src[sl]
                    v = x * 63.0
                    i0 = v.astype(jnp.int32)
                    coeff = v - i0.astype(jnp.float32)
                    g = plsc.load_gather(ptab, [i0 + bias])
                    y0 = plsc.bitcast(jax.lax.shift_left(g, 16), jnp.float32)
                    d = plsc.bitcast(g, jnp.float32)
                    dst[sl] = y0 + coeff * d

                @pl.when(kk + b + 2 < nk)
                def _():
                    in_copy(k + 2, b).start()

                out_copy(k, b).start()

        out_copy(nk - 2, 0).wait()
        out_copy(nk - 1, 1).wait()

    return run(cmc2, par2, img2)


TC_BS = 2048


def _tc_body(cmc_v, par_v, img_v, out_v):
    tab = cmc_v[0] + par_v[0] * 0.04
    tab2 = jnp.concatenate([tab, tab], axis=-1)
    t = jnp.broadcast_to(tab2, (TC_BS, 128))
    x = img_v[0]
    v = x * 63.0
    i = jnp.minimum(v.astype(jnp.int32), 62)
    coeff = v - i.astype(jnp.float32)
    y0 = jnp.take_along_axis(t, i, axis=-1)
    y1 = jnp.take_along_axis(t, i + 1, axis=-1)
    out_v[0] = (1.0 - coeff) * y0 + coeff * y1


def _tc_call(cmc2, par2, img2):
    nrows = img2.shape[0]
    img3 = img2.reshape(nrows, NPIX // 128, 128)
    cmc3 = cmc2.reshape(nrows, 1, CP)
    par3 = par2.reshape(nrows, 1, CP)
    out = pl.pallas_call(
        _tc_body,
        grid=(nrows, (NPIX // 128) // TC_BS),
        in_specs=[
            pl.BlockSpec((1, 1, CP), lambda i, j: (i, 0, 0)),
            pl.BlockSpec((1, 1, CP), lambda i, j: (i, 0, 0)),
            pl.BlockSpec((1, TC_BS, 128), lambda i, j: (i, j, 0)),
        ],
        out_specs=pl.BlockSpec((1, TC_BS, 128), lambda i, j: (i, j, 0)),
        out_shape=jax.ShapeDtypeStruct((nrows, NPIX // 128, 128), jnp.float32),
    )(cmc3, par3, img3)
    return out.reshape(nrows, NPIX)


def kernel(org_img, params, color_map_control):
    N, C, H, W = org_img.shape
    img2 = org_img.reshape(NCHAN * NPIX)
    cmc2 = color_map_control.reshape(NCHAN * CP)
    par2 = params.reshape(NCHAN * CP)
    out = _sc_call_manual(cmc2, par2, img2)
    return out.reshape(N, C, H, W)

# --- scband reference (transcript-rebuilt; emitter-appended) ---
"""Pipeline reference for scband-color-transform3-369367187956 (READ-ONLY COPY).

The authoritative reference and input builder live on the scoring server;
editing this copy changes nothing except your own understanding.
"""

import jax, jax.numpy as jnp
import numpy as np

FEATURE_NUM = 3
CONTROL_POINT = 64
OFFSET_PARAM = 0.04


def setup_inputs(seed: int = 0) -> dict:
    key = jax.random.key(seed)
    k1, k2, k3 = jax.random.split(key, 3)
    org_img = jax.random.uniform(k1, (32, 3, 512, 512), dtype=jnp.float32)
    params = jax.random.normal(k2, (32, 192), dtype=jnp.float32)
    color_map_control = jax.random.uniform(k3, (32, 3, 64), dtype=jnp.float32)
    return {"org_img": org_img, "params": params, "color_map_control": color_map_control}


def reference(org_img, params, color_map_control):
    N, C, H, W = org_img.shape
    cp = CONTROL_POINT
    fn = FEATURE_NUM
    color_map_control_x = color_map_control
    p = params.reshape(N, fn, cp) * OFFSET_PARAM
    color_map_control_y = color_map_control_x + p
    color_map_control_y = jnp.concatenate(
        (color_map_control_y, color_map_control_y[:, :, cp - 1:cp]), axis=2)
    color_map_control_x = jnp.concatenate(
        (color_map_control_x, color_map_control_x[:, :, cp - 1:cp]), axis=2)
    img_reshaped = org_img.reshape(N, fn, -1)
    img_reshaped_val = img_reshaped * (cp - 1)
    img_reshaped_index = jnp.floor(img_reshaped * (cp - 1)).astype(jnp.int64)
    img_reshaped_index_plus = img_reshaped_index + 1
    img_reshaped_coeff = img_reshaped_val - img_reshaped_index
    img_reshaped_coeff_one = 1.0 - img_reshaped_coeff
    mapped_y = jnp.take_along_axis(color_map_control_y, img_reshaped_index, axis=2)
    mapped_y_plus = jnp.take_along_axis(color_map_control_y, img_reshaped_index_plus, axis=2)
    out = img_reshaped_coeff_one * mapped_y + img_reshaped_coeff * mapped_y_plus
    return out.reshape(N, C, H, W)

if __name__ == "__main__":
    import jax
    _d = setup_inputs()
    print(jax.jit(kernel)(*tuple(_d.values())))

</pallas_src>

<mosaic_0001>
#map = affine_map<(d0, d1) -> (0)>
module attributes {stable_mosaic.version = 14 : i64} {
  func.func @run(%arg0: i32, %arg1: i32, %arg2: memref<6144xf32, #tpu.memory_space<hbm>>, %arg3: memref<6144xf32, #tpu.memory_space<hbm>>, %arg4: memref<25165824xf32, #tpu.memory_space<hbm>>, %arg5: memref<25165824xf32, #tpu.memory_space<hbm>>, %arg6: memref<16384xf32, #tpu.memory_space<vmem>>, %arg7: memref<16384xf32, #tpu.memory_space<vmem>>, %arg8: memref<16384xf32, #tpu.memory_space<vmem>>, %arg9: memref<16384xf32, #tpu.memory_space<vmem>>, %arg10: memref<192xf32, #tpu.memory_space<vmem>>, %arg11: memref<192xf32, #tpu.memory_space<vmem>>, %arg12: memref<128xf32, #tpu.memory_space<vmem>>, %arg13: memref<192xi32, #tpu.memory_space<vmem>>, %arg14: memref<!tpu.dma_semaphore, #tpu.memory_space<semaphore_mem>>, %arg15: memref<!tpu.dma_semaphore, #tpu.memory_space<semaphore_mem>>, %arg16: memref<!tpu.dma_semaphore, #tpu.memory_space<semaphore_mem>>, %arg17: memref<!tpu.dma_semaphore, #tpu.memory_space<semaphore_mem>>) attributes {dimension_semantics = [#tpu.dimension_semantics<core_parallel>, #tpu.dimension_semantics<subcore_parallel>], iteration_bounds = array<i64: 2, 16>, scalar_prefetch = 0 : i64, scratch_operands = 12 : i64, tpu.core_type = #tpu.core_type<sc_vector_subcore>, window_params = [{transform_indices = #map}, {transform_indices = #map}, {transform_indices = #map}, {transform_indices = #map}]} {
    %mul3A = arith.constant 2 : i32
    %mul3A_0 = arith.muli %arg1, %mul3A : i32
    %add3A = arith.addi %mul3A_0, %arg0 : i32
    %mul3A_1 = arith.constant 3 : i32
    %mul3A_2 = arith.muli %add3A, %mul3A_1 : i32
    %mul3A_3 = arith.constant 64 : i32
    %mul3A_4 = arith.muli %mul3A_2, %mul3A_3 : i32
    "tpu.region"() ({
      %run_scoped3A = tpu.sem_alloc : memref<!tpu.dma_semaphore, #tpu.memory_space<semaphore_mem>>
      %dma_start3A_540 = tpu.memref_slice %arg2[%mul3A_4] : memref<6144xf32, #tpu.memory_space<hbm>> -> memref<192xf32, #tpu.memory_space<hbm>>
      %dma_start3A_541 = tpu.memref_slice %arg2[%mul3A_4] : memref<6144xf32, #tpu.memory_space<hbm>> -> memref<192xf32, #tpu.memory_space<hbm>>
      tpu.enqueue_dma source(%dma_start3A_541 : memref<192xf32, #tpu.memory_space<hbm>>) target(%arg10 : memref<192xf32, #tpu.memory_space<vmem>>) target_semaphore(%run_scoped3A : memref<!tpu.dma_semaphore, #tpu.memory_space<semaphore_mem>>)
      %dma_wait3A_542 = tpu.memref_slice %arg2[%mul3A_4] : memref<6144xf32, #tpu.memory_space<hbm>> -> memref<192xf32, #tpu.memory_space<hbm>>
      %dma_wait3A_543 = tpu.memref_slice %arg2[%mul3A_4] : memref<6144xf32, #tpu.memory_space<hbm>> -> memref<192xf32, #tpu.memory_space<hbm>>
      tpu.wait_dma2 semaphore(%run_scoped3A : memref<!tpu.dma_semaphore, #tpu.memory_space<semaphore_mem>>) src(%dma_wait3A_543 : memref<192xf32, #tpu.memory_space<hbm>>) dst(%arg10 : memref<192xf32, #tpu.memory_space<vmem>>)
      tpu.yield
    }) : () -> ()
    %mul3A_5 = arith.constant 64 : i32
    %mul3A_6 = arith.muli %mul3A_2, %mul3A_5 : i32
    "tpu.region"() ({
      %run_scoped3A = tpu.sem_alloc : memref<!tpu.dma_semaphore, #tpu.memory_space<semaphore_mem>>
      %dma_start3A_540 = tpu.memref_slice %arg3[%mul3A_6] : memref<6144xf32, #tpu.memory_space<hbm>> -> memref<192xf32, #tpu.memory_space<hbm>>
      %dma_start3A_541 = tpu.memref_slice %arg3[%mul3A_6] : memref<6144xf32, #tpu.memory_space<hbm>> -> memref<192xf32, #tpu.memory_space<hbm>>
      tpu.enqueue_dma source(%dma_start3A_541 : memref<192xf32, #tpu.memory_space<hbm>>) target(%arg11 : memref<192xf32, #tpu.memory_space<vmem>>) target_semaphore(%run_scoped3A : memref<!tpu.dma_semaphore, #tpu.memory_space<semaphore_mem>>)
      %dma_wait3A_542 = tpu.memref_slice %arg3[%mul3A_6] : memref<6144xf32, #tpu.memory_space<hbm>> -> memref<192xf32, #tpu.memory_space<hbm>>
      %dma_wait3A_543 = tpu.memref_slice %arg3[%mul3A_6] : memref<6144xf32, #tpu.memory_space<hbm>> -> memref<192xf32, #tpu.memory_space<hbm>>
      tpu.wait_dma2 semaphore(%run_scoped3A : memref<!tpu.dma_semaphore, #tpu.memory_space<semaphore_mem>>) src(%dma_wait3A_543 : memref<192xf32, #tpu.memory_space<hbm>>) dst(%arg11 : memref<192xf32, #tpu.memory_space<vmem>>)
      tpu.yield
    }) : () -> ()
    %iota3A = tpu.iota {dimensions = array<i32: 0>} : vector<16xi32>
    %get3A = arith.constant 0 : index
    %get3A_7 = tpu.vector_load %arg10[%get3A] {strides = array<i32>} : memref<192xf32, #tpu.memory_space<vmem>>, vector<16xf32>,
    %get3A_8 = arith.constant 0 : index
    %get3A_9 = tpu.vector_load %arg11[%get3A_8] {strides = array<i32>} : memref<192xf32, #tpu.memory_space<vmem>>, vector<16xf32>,
    %mul3A_10 = arith.constant 4.000000e-02 : f32
    %mul3A_11 = vector.broadcast %mul3A_10 : f32 to vector<16xf32>
    %mul3A_12 = arith.mulf %get3A_9, %mul3A_11 : vector<16xf32>
    %add3A_13 = arith.addf %get3A_7, %mul3A_12 : vector<16xf32>
    %swap3A = arith.constant 0 : index
    %swap3A_14 = tpu.vector_load %arg12[%swap3A] {strides = array<i32>} : memref<128xf32, #tpu.memory_space<vmem>>, vector<16xf32>,
    tpu.vector_store %arg12[%swap3A], %add3A_13 {strides = array<i32>} : memref<128xf32, #tpu.memory_space<vmem>>, vector<16xf32>,
    %get3A_15 = arith.constant 16 : index
    %get3A_16 = tpu.vector_load %arg10[%get3A_15] {strides = array<i32>} : memref<192xf32, #tpu.memory_space<vmem>>, vector<16xf32>,
    %get3A_17 = arith.constant 16 : index
    %get3A_18 = tpu.vector_load %arg11[%get3A_17] {strides = array<i32>} : memref<192xf32, #tpu.memory_space<vmem>>, vector<16xf32>,
    %mul3A_19 = arith.constant 4.000000e-02 : f32
    %mul3A_20 = vector.broadcast %mul3A_19 : f32 to vector<16xf32>
    %mul3A_21 = arith.mulf %get3A_18, %mul3A_20 : vector<16xf32>
    %add3A_22 = arith.addf %get3A_16, %mul3A_21 : vector<16xf32>
    %swap3A_23 = arith.constant 16 : index
    %swap3A_24 = tpu.vector_load %arg12[%swap3A_23] {strides = array<i32>} : memref<128xf32, #tpu.memory_space<vmem>>, vector<16xf32>,
    tpu.vector_store %arg12[%swap3A_23], %add3A_22 {strides = array<i32>} : memref<128xf32, #tpu.memory_space<vmem>>, vector<16xf32>,
    %get3A_25 = arith.constant 32 : index
    %get3A_26 = tpu.vector_load %arg10[%get3A_25] {strides = array<i32>} : memref<192xf32, #tpu.memory_space<vmem>>, vector<16xf32>,
    %get3A_27 = arith.constant 32 : index
    %get3A_28 = tpu.vector_load %arg11[%get3A_27] {strides = array<i32>} : memref<192xf32, #tpu.memory_space<vmem>>, vector<16xf32>,
    %mul3A_29 = arith.constant 4.000000e-02 : f32
    %mul3A_30 = vector.broadcast %mul3A_29 : f32 to vector<16xf32>
    %mul3A_31 = arith.mulf %get3A_28, %mul3A_30 : vector<16xf32>
    %add3A_32 = arith.addf %get3A_26, %mul3A_31 : vector<16xf32>
    %swap3A_33 = arith.constant 32 : index
    %swap3A_34 = tpu.vector_load %arg12[%swap3A_33] {strides = array<i32>} : memref<128xf32, #tpu.memory_space<vmem>>, vector<16xf32>,
    tpu.vector_store %arg12[%swap3A_33], %add3A_32 {strides = array<i32>} : memref<128xf32, #tpu.memory_space<vmem>>, vector<16xf32>,
    %get3A_35 = arith.constant 48 : index
    %get3A_36 = tpu.vector_load %arg10[%get3A_35] {strides = array<i32>} : memref<192xf32, #tpu.memory_space<vmem>>, vector<16xf32>,
    %get3A_37 = arith.constant 48 : index
    %get3A_38 = tpu.vector_load %arg11[%get3A_37] {strides = array<i32>} : memref<192xf32, #tpu.memory_space<vmem>>, vector<16xf32>,
    %mul3A_39 = arith.constant 4.000000e-02 : f32
    %mul3A_40 = vector.broadcast %mul3A_39 : f32 to vector<16xf32>
    %mul3A_41 = arith.mulf %get3A_38, %mul3A_40 : vector<16xf32>
    %add3A_42 = arith.addf %get3A_36, %mul3A_41 : vector<16xf32>
    %swap3A_43 = arith.constant 48 : index
    %swap3A_44 = tpu.vector_load %arg12[%swap3A_43] {strides = array<i32>} : memref<128xf32, #tpu.memory_space<vmem>>, vector<16xf32>,
    tpu.vector_store %arg12[%swap3A_43], %add3A_42 {strides = array<i32>} : memref<128xf32, #tpu.memory_space<vmem>>, vector<16xf32>,
    %add3A_45 = arith.constant 1 : i32
    %add3A_46 = vector.broadcast %add3A_45 : i32 to vector<16xi32>
    %add3A_47 = arith.addi %iota3A, %add3A_46 : vector<16xi32>
    %min3A = arith.constant 63 : i32
    %min3A_48 = vector.broadcast %min3A : i32 to vector<16xi32>
    %min3A_49 = arith.minsi %add3A_47, %min3A_48 : vector<16xi32>
    %gather3A = tpu.vector_load_idx %arg12[%min3A_49] : memref<128xf32, #tpu.memory_space<vmem>>[vector<16xi32>], vector<16xf32>,
    %get3A_50 = arith.constant 0 : index
    %get3A_51 = tpu.vector_load %arg12[%get3A_50] {strides = array<i32>} : memref<128xf32, #tpu.memory_space<vmem>>, vector<16xf32>,
    %sub3A = arith.subf %gather3A, %get3A_51 : vector<16xf32>
    %swap3A_52 = arith.constant 64 : index
    %swap3A_53 = tpu.vector_load %arg12[%swap3A_52] {strides = array<i32>} : memref<128xf32, #tpu.memory_space<vmem>>, vector<16xf32>,
    tpu.vector_store %arg12[%swap3A_52], %sub3A {strides = array<i32>} : memref<128xf32, #tpu.memory_space<vmem>>, vector<16xf32>,
    %add3A_54 = arith.constant 17 : i32
    %add3A_55 = vector.broadcast %add3A_54 : i32 to vector<16xi32>
    %add3A_56 = arith.addi %iota3A, %add3A_55 : vector<16xi32>
    %min3A_57 = arith.constant 63 : i32
    %min3A_58 = vector.broadcast %min3A_57 : i32 to vector<16xi32>
    %min3A_59 = arith.minsi %add3A_56, %min3A_58 : vector<16xi32>
    %gather3A_60 = tpu.vector_load_idx %arg12[%min3A_59] : memref<128xf32, #tpu.memory_space<vmem>>[vector<16xi32>], vector<16xf32>,
    %get3A_61 = arith.constant 16 : index
    %get3A_62 = tpu.vector_load %arg12[%get3A_61] {strides = array<i32>} : memref<128xf32, #tpu.memory_space<vmem>>, vector<16xf32>,
    %sub3A_63 = arith.subf %gather3A_60, %get3A_62 : vector<16xf32>
    %swap3A_64 = arith.constant 80 : index
    %swap3A_65 = tpu.vector_load %arg12[%swap3A_64] {strides = array<i32>} : memref<128xf32, #tpu.memory_space<vmem>>, vector<16xf32>,
    tpu.vector_store %arg12[%swap3A_64], %sub3A_63 {strides = array<i32>} : memref<128xf32, #tpu.memory_space<vmem>>, vector<16xf32>,
    %add3A_66 = arith.constant 33 : i32
    %add3A_67 = vector.broadcast %add3A_66 : i32 to vector<16xi32>
    %add3A_68 = arith.addi %iota3A, %add3A_67 : vector<16xi32>
    %min3A_69 = arith.constant 63 : i32
    %min3A_70 = vector.broadcast %min3A_69 : i32 to vector<16xi32>
    %min3A_71 = arith.minsi %add3A_68, %min3A_70 : vector<16xi32>
    %gather3A_72 = tpu.vector_load_idx %arg12[%min3A_71] : memref<128xf32, #tpu.memory_space<vmem>>[vector<16xi32>], vector<16xf32>,
    %get3A_73 = arith.constant 32 : index
    %get3A_74 = tpu.vector_load %arg12[%get3A_73] {strides = array<i32>} : memref<128xf32, #tpu.memory_space<vmem>>, vector<16xf32>,
    %sub3A_75 = arith.subf %gather3A_72, %get3A_74 : vector<16xf32>
    %swap3A_76 = arith.constant 96 : index
    %swap3A_77 = tpu.vector_load %arg12[%swap3A_76] {strides = array<i32>} : memref<128xf32, #tpu.memory_space<vmem>>, vector<16xf32>,
    tpu.vector_store %arg12[%swap3A_76], %sub3A_75 {strides = array<i32>} : memref<128xf32, #tpu.memory_space<vmem>>, vector<16xf32>,
    %add3A_78 = arith.constant 49 : i32
    %add3A_79 = vector.broadcast %add3A_78 : i32 to vector<16xi32>
    %add3A_80 = arith.addi %iota3A, %add3A_79 : vector<16xi32>
    %min3A_81 = arith.constant 63 : i32
    %min3A_82 = vector.broadcast %min3A_81 : i32 to vector<16xi32>
    %min3A_83 = arith.minsi %add3A_80, %min3A_82 : vector<16xi32>
    %gather3A_84 = tpu.vector_load_idx %arg12[%min3A_83] : memref<128xf32, #tpu.memory_space<vmem>>[vector<16xi32>], vector<16xf32>,
    %get3A_85 = arith.constant 48 : index
    %get3A_86 = tpu.vector_load %arg12[%get3A_85] {strides = array<i32>} : memref<128xf32, #tpu.memory_space<vmem>>, vector<16xf32>,
    %sub3A_87 = arith.subf %gather3A_84, %get3A_86 : vector<16xf32>
    %swap3A_88 = arith.constant 112 : index
    %swap3A_89 = tpu.vector_load %arg12[%swap3A_88] {strides = array<i32>} : memref<128xf32, #tpu.memory_space<vmem>>, vector<16xf32>,
    tpu.vector_store %arg12[%swap3A_88], %sub3A_87 {strides = array<i32>} : memref<128xf32, #tpu.memory_space<vmem>>, vector<16xf32>,
    %get3A_90 = arith.constant 0 : index
    %get3A_91 = tpu.vector_load %arg12[%get3A_90] {strides = array<i32>} : memref<128xf32, #tpu.memory_space<vmem>>, vector<16xf32>,
    %bitcast3A = vector.bitcast %get3A_91 : vector<16xf32> to vector<16xi32>
    %get3A_92 = arith.constant 64 : index
    %get3A_93 = tpu.vector_load %arg12[%get3A_92] {strides = array<i32>} : memref<128xf32, #tpu.memory_space<vmem>>, vector<16xf32>,
    %bitcast3A_94 = vector.bitcast %get3A_93 : vector<16xf32> to vector<16xi32>
    %add3A_95 = arith.constant 32768 : i32
    %add3A_96 = vector.broadcast %add3A_95 : i32 to vector<16xi32>
    %add3A_97 = arith.addi %bitcast3A, %add3A_96 : vector<16xi32>
    %shift_right_logical3A = arith.constant 16 : i32
    %shift_right_logical3A_98 = vector.broadcast %shift_right_logical3A : i32 to vector<16xi32>
    %shift_right_logical3A_99 = arith.shrui %add3A_97, %shift_right_logical3A_98 : vector<16xi32>
    %add3A_100 = arith.constant 32768 : i32
    %add3A_101 = vector.broadcast %add3A_100 : i32 to vector<16xi32>
    %add3A_102 = arith.addi %bitcast3A_94, %add3A_101 : vector<16xi32>
    %and3A = arith.constant -65536 : i32
    %and3A_103 = vector.broadcast %and3A : i32 to vector<16xi32>
    %and3A_104 = arith.andi %add3A_102, %and3A_103 : vector<16xi32>
    %or3A = arith.ori %shift_right_logical3A_99, %and3A_104 : vector<16xi32>
    %swap3A_105 = arith.constant 0 : index
    %swap3A_106 = tpu.vector_load %arg13[%swap3A_105] {strides = array<i32>} : memref<192xi32, #tpu.memory_space<vmem>>, vector<16xi32>,
    tpu.vector_store %arg13[%swap3A_105], %or3A {strides = array<i32>} : memref<192xi32, #tpu.memory_space<vmem>>, vector<16xi32>,
    %get3A_107 = arith.constant 16 : index
    %get3A_108 = tpu.vector_load %arg12[%get3A_107] {strides = array<i32>} : memref<128xf32, #tpu.memory_space<vmem>>, vector<16xf32>,
    %bitcast3A_109 = vector.bitcast %get3A_108 : vector<16xf32> to vector<16xi32>
    %get3A_110 = arith.constant 80 : index
    %get3A_111 = tpu.vector_load %arg12[%get3A_110] {strides = array<i32>} : memref<128xf32, #tpu.memory_space<vmem>>, vector<16xf32>,
    %bitcast3A_112 = vector.bitcast %get3A_111 : vector<16xf32> to vector<16xi32>
    %add3A_113 = arith.constant 32768 : i32
    %add3A_114 = vector.broadcast %add3A_113 : i32 to vector<16xi32>
    %add3A_115 = arith.addi %bitcast3A_109, %add3A_114 : vector<16xi32>
    %shift_right_logical3A_116 = arith.constant 16 : i32
    %shift_right_logical3A_117 = vector.broadcast %shift_right_logical3A_116 : i32 to vector<16xi32>
    %shift_right_logical3A_118 = arith.shrui %add3A_115, %shift_right_logical3A_117 : vector<16xi32>
    %add3A_119 = arith.constant 32768 : i32
    %add3A_120 = vector.broadcast %add3A_119 : i32 to vector<16xi32>
    %add3A_121 = arith.addi %bitcast3A_112, %add3A_120 : vector<16xi32>
    %and3A_122 = arith.constant -65536 : i32
    %and3A_123 = vector.broadcast %and3A_122 : i32 to vector<16xi32>
    %and3A_124 = arith.andi %add3A_121, %and3A_123 : vector<16xi32>
    %or3A_125 = arith.ori %shift_right_logical3A_118, %and3A_124 : vector<16xi32>
    %swap3A_126 = arith.constant 16 : index
    %swap3A_127 = tpu.vector_load %arg13[%swap3A_126] {strides = array<i32>} : memref<192xi32, #tpu.memory_space<vmem>>, vector<16xi32>,
    tpu.vector_store %arg13[%swap3A_126], %or3A_125 {strides = array<i32>} : memref<192xi32, #tpu.memory_space<vmem>>, vector<16xi32>,
    %get3A_128 = arith.constant 32 : index
    %get3A_129 = tpu.vector_load %arg12[%get3A_128] {strides = array<i32>} : memref<128xf32, #tpu.memory_space<vmem>>, vector<16xf32>,
    %bitcast3A_130 = vector.bitcast %get3A_129 : vector<16xf32> to vector<16xi32>
    %get3A_131 = arith.constant 96 : index
    %get3A_132 = tpu.vector_load %arg12[%get3A_131] {strides = array<i32>} : memref<128xf32, #tpu.memory_space<vmem>>, vector<16xf32>,
    %bitcast3A_133 = vector.bitcast %get3A_132 : vector<16xf32> to vector<16xi32>
    %add3A_134 = arith.constant 32768 : i32
    %add3A_135 = vector.broadcast %add3A_134 : i32 to vector<16xi32>
    %add3A_136 = arith.addi %bitcast3A_130, %add3A_135 : vector<16xi32>
    %shift_right_logical3A_137 = arith.constant 16 : i32
    %shift_right_logical3A_138 = vector.broadcast %shift_right_logical3A_137 : i32 to vector<16xi32>
    %shift_right_logical3A_139 = arith.shrui %add3A_136, %shift_right_logical3A_138 : vector<16xi32>
    %add3A_140 = arith.constant 32768 : i32
    %add3A_141 = vector.broadcast %add3A_140 : i32 to vector<16xi32>
    %add3A_142 = arith.addi %bitcast3A_133, %add3A_141 : vector<16xi32>
    %and3A_143 = arith.constant -65536 : i32
    %and3A_144 = vector.broadcast %and3A_143 : i32 to vector<16xi32>
    %and3A_145 = arith.andi %add3A_142, %and3A_144 : vector<16xi32>
    %or3A_146 = arith.ori %shift_right_logical3A_139, %and3A_145 : vector<16xi32>
    %swap3A_147 = arith.constant 32 : index
    %swap3A_148 = tpu.vector_load %arg13[%swap3A_147] {strides = array<i32>} : memref<192xi32, #tpu.memory_space<vmem>>, vector<16xi32>,
    tpu.vector_store %arg13[%swap3A_147], %or3A_146 {strides = array<i32>} : memref<192xi32, #tpu.memory_space<vmem>>, vector<16xi32>,
    %get3A_149 = arith.constant 48 : index
    %get3A_150 = tpu.vector_load %arg12[%get3A_149] {strides = array<i32>} : memref<128xf32, #tpu.memory_space<vmem>>, vector<16xf32>,
    %bitcast3A_151 = vector.bitcast %get3A_150 : vector<16xf32> to vector<16xi32>
    %get3A_152 = arith.constant 112 : index
    %get3A_153 = tpu.vector_load %arg12[%get3A_152] {strides = array<i32>} : memref<128xf32, #tpu.memory_space<vmem>>, vector<16xf32>,
    %bitcast3A_154 = vector.bitcast %get3A_153 : vector<16xf32> to vector<16xi32>
    %add3A_155 = arith.constant 32768 : i32
    %add3A_156 = vector.broadcast %add3A_155 : i32 to vector<16xi32>
    %add3A_157 = arith.addi %bitcast3A_151, %add3A_156 : vector<16xi32>
    %shift_right_logical3A_158 = arith.constant 16 : i32
    %shift_right_logical3A_159 = vector.broadcast %shift_right_logical3A_158 : i32 to vector<16xi32>
    %shift_right_logical3A_160 = arith.shrui %add3A_157, %shift_right_logical3A_159 : vector<16xi32>
    %add3A_161 = arith.constant 32768 : i32
    %add3A_162 = vector.broadcast %add3A_161 : i32 to vector<16xi32>
    %add3A_163 = arith.addi %bitcast3A_154, %add3A_162 : vector<16xi32>
    %and3A_164 = arith.constant -65536 : i32
    %and3A_165 = vector.broadcast %and3A_164 : i32 to vector<16xi32>
    %and3A_166 = arith.andi %add3A_163, %and3A_165 : vector<16xi32>
    %or3A_167 = arith.ori %shift_right_logical3A_160, %and3A_166 : vector<16xi32>
    %swap3A_168 = arith.constant 48 : index
    %swap3A_169 = tpu.vector_load %arg13[%swap3A_168] {strides = array<i32>} : memref<192xi32, #tpu.memory_space<vmem>>, vector<16xi32>,
    tpu.vector_store %arg13[%swap3A_168], %or3A_167 {strides = array<i32>} : memref<192xi32, #tpu.memory_space<vmem>>, vector<16xi32>,
    %get3A_170 = arith.constant 64 : index
    %get3A_171 = tpu.vector_load %arg10[%get3A_170] {strides = array<i32>} : memref<192xf32, #tpu.memory_space<vmem>>, vector<16xf32>,
    %get3A_172 = arith.constant 64 : index
    %get3A_173 = tpu.vector_load %arg11[%get3A_172] {strides = array<i32>} : memref<192xf32, #tpu.memory_space<vmem>>, vector<16xf32>,
    %mul3A_174 = arith.constant 4.000000e-02 : f32
    %mul3A_175 = vector.broadcast %mul3A_174 : f32 to vector<16xf32>
    %mul3A_176 = arith.mulf %get3A_173, %mul3A_175 : vector<16xf32>
    %add3A_177 = arith.addf %get3A_171, %mul3A_176 : vector<16xf32>
    %swap3A_178 = arith.constant 0 : index
    %swap3A_179 = tpu.vector_load %arg12[%swap3A_178] {strides = array<i32>} : memref<128xf32, #tpu.memory_space<vmem>>, vector<16xf32>,
    tpu.vector_store %arg12[%swap3A_178], %add3A_177 {strides = array<i32>} : memref<128xf32, #tpu.memory_space<vmem>>, vector<16xf32>,
    %get3A_180 = arith.constant 80 : index
    %get3A_181 = tpu.vector_load %arg10[%get3A_180] {strides = array<i32>} : memref<192xf32, #tpu.memory_space<vmem>>, vector<16xf32>,
    %get3A_182 = arith.constant 80 : index
    %get3A_183 = tpu.vector_load %arg11[%get3A_182] {strides = array<i32>} : memref<192xf32, #tpu.memory_space<vmem>>, vector<16xf32>,
    %mul3A_184 = arith.constant 4.000000e-02 : f32
    %mul3A_185 = vector.broadcast %mul3A_184 : f32 to vector<16xf32>
    %mul3A_186 = arith.mulf %get3A_183, %mul3A_185 : vector<16xf32>
    %add3A_187 = arith.addf %get3A_181, %mul3A_186 : vector<16xf32>
    %swap3A_188 = arith.constant 16 : index
    %swap3A_189 = tpu.vector_load %arg12[%swap3A_188] {strides = array<i32>} : memref<128xf32, #tpu.memory_space<vmem>>, vector<16xf32>,
    tpu.vector_store %arg12[%swap3A_188], %add3A_187 {strides = array<i32>} : memref<128xf32, #tpu.memory_space<vmem>>, vector<16xf32>,
    %get3A_190 = arith.constant 96 : index
    %get3A_191 = tpu.vector_load %arg10[%get3A_190] {strides = array<i32>} : memref<192xf32, #tpu.memory_space<vmem>>, vector<16xf32>,
    %get3A_192 = arith.constant 96 : index
    %get3A_193 = tpu.vector_load %arg11[%get3A_192] {strides = array<i32>} : memref<192xf32, #tpu.memory_space<vmem>>, vector<16xf32>,
    %mul3A_194 = arith.constant 4.000000e-02 : f32
    %mul3A_195 = vector.broadcast %mul3A_194 : f32 to vector<16xf32>
    %mul3A_196 = arith.mulf %get3A_193, %mul3A_195 : vector<16xf32>
    %add3A_197 = arith.addf %get3A_191, %mul3A_196 : vector<16xf32>
    %swap3A_198 = arith.constant 32 : index
    %swap3A_199 = tpu.vector_load %arg12[%swap3A_198] {strides = array<i32>} : memref<128xf32, #tpu.memory_space<vmem>>, vector<16xf32>,
    tpu.vector_store %arg12[%swap3A_198], %add3A_197 {strides = array<i32>} : memref<128xf32, #tpu.memory_space<vmem>>, vector<16xf32>,
    %get3A_200 = arith.constant 112 : index
    %get3A_201 = tpu.vector_load %arg10[%get3A_200] {strides = array<i32>} : memref<192xf32, #tpu.memory_space<vmem>>, vector<16xf32>,
    %get3A_202 = arith.constant 112 : index
    %get3A_203 = tpu.vector_load %arg11[%get3A_202] {strides = array<i32>} : memref<192xf32, #tpu.memory_space<vmem>>, vector<16xf32>,
    %mul3A_204 = arith.constant 4.000000e-02 : f32
    %mul3A_205 = vector.broadcast %mul3A_204 : f32 to vector<16xf32>
    %mul3A_206 = arith.mulf %get3A_203, %mul3A_205 : vector<16xf32>
    %add3A_207 = arith.addf %get3A_201, %mul3A_206 : vector<16xf32>
    %swap3A_208 = arith.constant 48 : index
    %swap3A_209 = tpu.vector_load %arg12[%swap3A_208] {strides = array<i32>} : memref<128xf32, #tpu.memory_space<vmem>>, vector<16xf32>,
    tpu.vector_store %arg12[%swap3A_208], %add3A_207 {strides = array<i32>} : memref<128xf32, #tpu.memory_space<vmem>>, vector<16xf32>,
    %add3A_210 = arith.constant 1 : i32
    %add3A_211 = vector.broadcast %add3A_210 : i32 to vector<16xi32>
    %add3A_212 = arith.addi %iota3A, %add3A_211 : vector<16xi32>
    %min3A_213 = arith.constant 63 : i32
    %min3A_214 = vector.broadcast %min3A_213 : i32 to vector<16xi32>
    %min3A_215 = arith.minsi %add3A_212, %min3A_214 : vector<16xi32>
    %gather3A_216 = tpu.vector_load_idx %arg12[%min3A_215] : memref<128xf32, #tpu.memory_space<vmem>>[vector<16xi32>], vector<16xf32>,
    %get3A_217 = arith.constant 0 : index
    %get3A_218 = tpu.vector_load %arg12[%get3A_217] {strides = array<i32>} : memref<128xf32, #tpu.memory_space<vmem>>, vector<16xf32>,
    %sub3A_219 = arith.subf %gather3A_216, %get3A_218 : vector<16xf32>
    %swap3A_220 = arith.constant 64 : index
    %swap3A_221 = tpu.vector_load %arg12[%swap3A_220] {strides = array<i32>} : memref<128xf32, #tpu.memory_space<vmem>>, vector<16xf32>,
    tpu.vector_store %arg12[%swap3A_220], %sub3A_219 {strides = array<i32>} : memref<128xf32, #tpu.memory_space<vmem>>, vector<16xf32>,
    %add3A_222 = arith.constant 17 : i32
    %add3A_223 = vector.broadcast %add3A_222 : i32 to vector<16xi32>
    %add3A_224 = arith.addi %iota3A, %add3A_223 : vector<16xi32>
    %min3A_225 = arith.constant 63 : i32
    %min3A_226 = vector.broadcast %min3A_225 : i32 to vector<16xi32>
    %min3A_227 = arith.minsi %add3A_224, %min3A_226 : vector<16xi32>
    %gather3A_228 = tpu.vector_load_idx %arg12[%min3A_227] : memref<128xf32, #tpu.memory_space<vmem>>[vector<16xi32>], vector<16xf32>,
    %get3A_229 = arith.constant 16 : index
    %get3A_230 = tpu.vector_load %arg12[%get3A_229] {strides = array<i32>} : memref<128xf32, #tpu.memory_space<vmem>>, vector<16xf32>,
    %sub3A_231 = arith.subf %gather3A_228, %get3A_230 : vector<16xf32>
    %swap3A_232 = arith.constant 80 : index
    %swap3A_233 = tpu.vector_load %arg12[%swap3A_232] {strides = array<i32>} : memref<128xf32, #tpu.memory_space<vmem>>, vector<16xf32>,
    tpu.vector_store %arg12[%swap3A_232], %sub3A_231 {strides = array<i32>} : memref<128xf32, #tpu.memory_space<vmem>>, vector<16xf32>,
    %add3A_234 = arith.constant 33 : i32
    %add3A_235 = vector.broadcast %add3A_234 : i32 to vector<16xi32>
    %add3A_236 = arith.addi %iota3A, %add3A_235 : vector<16xi32>
    %min3A_237 = arith.constant 63 : i32
    %min3A_238 = vector.broadcast %min3A_237 : i32 to vector<16xi32>
    %min3A_239 = arith.minsi %add3A_236, %min3A_238 : vector<16xi32>
    %gather3A_240 = tpu.vector_load_idx %arg12[%min3A_239] : memref<128xf32, #tpu.memory_space<vmem>>[vector<16xi32>], vector<16xf32>,
    %get3A_241 = arith.constant 32 : index
    %get3A_242 = tpu.vector_load %arg12[%get3A_241] {strides = array<i32>} : memref<128xf32, #tpu.memory_space<vmem>>, vector<16xf32>,
    %sub3A_243 = arith.subf %gather3A_240, %get3A_242 : vector<16xf32>
    %swap3A_244 = arith.constant 96 : index
    %swap3A_245 = tpu.vector_load %arg12[%swap3A_244] {strides = array<i32>} : memref<128xf32, #tpu.memory_space<vmem>>, vector<16xf32>,
    tpu.vector_store %arg12[%swap3A_244], %sub3A_243 {strides = array<i32>} : memref<128xf32, #tpu.memory_space<vmem>>, vector<16xf32>,
    %add3A_246 = arith.constant 49 : i32
    %add3A_247 = vector.broadcast %add3A_246 : i32 to vector<16xi32>
    %add3A_248 = arith.addi %iota3A, %add3A_247 : vector<16xi32>
    %min3A_249 = arith.constant 63 : i32
    %min3A_250 = vector.broadcast %min3A_249 : i32 to vector<16xi32>
    %min3A_251 = arith.minsi %add3A_248, %min3A_250 : vector<16xi32>
    %gather3A_252 = tpu.vector_load_idx %arg12[%min3A_251] : memref<128xf32, #tpu.memory_space<vmem>>[vector<16xi32>], vector<16xf32>,
    %get3A_253 = arith.constant 48 : index
    %get3A_254 = tpu.vector_load %arg12[%get3A_253] {strides = array<i32>} : memref<128xf32, #tpu.memory_space<vmem>>, vector<16xf32>,
    %sub3A_255 = arith.subf %gather3A_252, %get3A_254 : vector<16xf32>
    %swap3A_256 = arith.constant 112 : index
    %swap3A_257 = tpu.vector_load %arg12[%swap3A_256] {strides = array<i32>} : memref<128xf32, #tpu.memory_space<vmem>>, vector<16xf32>,
    tpu.vector_store %arg12[%swap3A_256], %sub3A_255 {strides = array<i32>} : memref<128xf32, #tpu.memory_space<vmem>>, vector<16xf32>,
    %get3A_258 = arith.constant 0 : index
    %get3A_259 = tpu.vector_load %arg12[%get3A_258] {strides = array<i32>} : memref<128xf32, #tpu.memory_space<vmem>>, vector<16xf32>,
    %bitcast3A_260 = vector.bitcast %get3A_259 : vector<16xf32> to vector<16xi32>
    %get3A_261 = arith.constant 64 : index
    %get3A_262 = tpu.vector_load %arg12[%get3A_261] {strides = array<i32>} : memref<128xf32, #tpu.memory_space<vmem>>, vector<16xf32>,
    %bitcast3A_263 = vector.bitcast %get3A_262 : vector<16xf32> to vector<16xi32>
    %add3A_264 = arith.constant 32768 : i32
    %add3A_265 = vector.broadcast %add3A_264 : i32 to vector<16xi32>
    %add3A_266 = arith.addi %bitcast3A_260, %add3A_265 : vector<16xi32>
    %shift_right_logical3A_267 = arith.constant 16 : i32
    %shift_right_logical3A_268 = vector.broadcast %shift_right_logical3A_267 : i32 to vector<16xi32>
    %shift_right_logical3A_269 = arith.shrui %add3A_266, %shift_right_logical3A_268 : vector<16xi32>
    %add3A_270 = arith.constant 32768 : i32
    %add3A_271 = vector.broadcast %add3A_270 : i32 to vector<16xi32>
    %add3A_272 = arith.addi %bitcast3A_263, %add3A_271 : vector<16xi32>
    %and3A_273 = arith.constant -65536 : i32
    %and3A_274 = vector.broadcast %and3A_273 : i32 to vector<16xi32>
    %and3A_275 = arith.andi %add3A_272, %and3A_274 : vector<16xi32>
    %or3A_276 = arith.ori %shift_right_logical3A_269, %and3A_275 : vector<16xi32>
    %swap3A_277 = arith.constant 64 : index
    %swap3A_278 = tpu.vector_load %arg13[%swap3A_277] {strides = array<i32>} : memref<192xi32, #tpu.memory_space<vmem>>, vector<16xi32>,
    tpu.vector_store %arg13[%swap3A_277], %or3A_276 {strides = array<i32>} : memref<192xi32, #tpu.memory_space<vmem>>, vector<16xi32>,
    %get3A_279 = arith.constant 16 : index
    %get3A_280 = tpu.vector_load %arg12[%get3A_279] {strides = array<i32>} : memref<128xf32, #tpu.memory_space<vmem>>, vector<16xf32>,
    %bitcast3A_281 = vector.bitcast %get3A_280 : vector<16xf32> to vector<16xi32>
    %get3A_282 = arith.constant 80 : index
    %get3A_283 = tpu.vector_load %arg12[%get3A_282] {strides = array<i32>} : memref<128xf32, #tpu.memory_space<vmem>>, vector<16xf32>,
    %bitcast3A_284 = vector.bitcast %get3A_283 : vector<16xf32> to vector<16xi32>
    %add3A_285 = arith.constant 32768 : i32
    %add3A_286 = vector.broadcast %add3A_285 : i32 to vector<16xi32>
    %add3A_287 = arith.addi %bitcast3A_281, %add3A_286 : vector<16xi32>
    %shift_right_logical3A_288 = arith.constant 16 : i32
    %shift_right_logical3A_289 = vector.broadcast %shift_right_logical3A_288 : i32 to vector<16xi32>
    %shift_right_logical3A_290 = arith.shrui %add3A_287, %shift_right_logical3A_289 : vector<16xi32>
    %add3A_291 = arith.constant 32768 : i32
    %add3A_292 = vector.broadcast %add3A_291 : i32 to vector<16xi32>
    %add3A_293 = arith.addi %bitcast3A_284, %add3A_292 : vector<16xi32>
    %and3A_294 = arith.constant -65536 : i32
    %and3A_295 = vector.broadcast %and3A_294 : i32 to vector<16xi32>
    %and3A_296 = arith.andi %add3A_293, %and3A_295 : vector<16xi32>
    %or3A_297 = arith.ori %shift_right_logical3A_290, %and3A_296 : vector<16xi32>
    %swap3A_298 = arith.constant 80 : index
    %swap3A_299 = tpu.vector_load %arg13[%swap3A_298] {strides = array<i32>} : memref<192xi32, #tpu.memory_space<vmem>>, vector<16xi32>,
    tpu.vector_store %arg13[%swap3A_298], %or3A_297 {strides = array<i32>} : memref<192xi32, #tpu.memory_space<vmem>>, vector<16xi32>,
    %get3A_300 = arith.constant 32 : index
    %get3A_301 = tpu.vector_load %arg12[%get3A_300] {strides = array<i32>} : memref<128xf32, #tpu.memory_space<vmem>>, vector<16xf32>,
    %bitcast3A_302 = vector.bitcast %get3A_301 : vector<16xf32> to vector<16xi32>
    %get3A_303 = arith.constant 96 : index
    %get3A_304 = tpu.vector_load %arg12[%get3A_303] {strides = array<i32>} : memref<128xf32, #tpu.memory_space<vmem>>, vector<16xf32>,
    %bitcast3A_305 = vector.bitcast %get3A_304 : vector<16xf32> to vector<16xi32>
    %add3A_306 = arith.constant 32768 : i32
    %add3A_307 = vector.broadcast %add3A_306 : i32 to vector<16xi32>
    %add3A_308 = arith.addi %bitcast3A_302, %add3A_307 : vector<16xi32>
    %shift_right_logical3A_309 = arith.constant 16 : i32
    %shift_right_logical3A_310 = vector.broadcast %shift_right_logical3A_309 : i32 to vector<16xi32>
    %shift_right_logical3A_311 = arith.shrui %add3A_308, %shift_right_logical3A_310 : vector<16xi32>
    %add3A_312 = arith.constant 32768 : i32
    %add3A_313 = vector.broadcast %add3A_312 : i32 to vector<16xi32>
    %add3A_314 = arith.addi %bitcast3A_305, %add3A_313 : vector<16xi32>
    %and3A_315 = arith.constant -65536 : i32
    %and3A_316 = vector.broadcast %and3A_315 : i32 to vector<16xi32>
    %and3A_317 = arith.andi %add3A_314, %and3A_316 : vector<16xi32>
    %or3A_318 = arith.ori %shift_right_logical3A_311, %and3A_317 : vector<16xi32>
    %swap3A_319 = arith.constant 96 : index
    %swap3A_320 = tpu.vector_load %arg13[%swap3A_319] {strides = array<i32>} : memref<192xi32, #tpu.memory_space<vmem>>, vector<16xi32>,
    tpu.vector_store %arg13[%swap3A_319], %or3A_318 {strides = array<i32>} : memref<192xi32, #tpu.memory_space<vmem>>, vector<16xi32>,
    %get3A_321 = arith.constant 48 : index
    %get3A_322 = tpu.vector_load %arg12[%get3A_321] {strides = array<i32>} : memref<128xf32, #tpu.memory_space<vmem>>, vector<16xf32>,
    %bitcast3A_323 = vector.bitcast %get3A_322 : vector<16xf32> to vector<16xi32>
    %get3A_324 = arith.constant 112 : index
    %get3A_325 = tpu.vector_load %arg12[%get3A_324] {strides = array<i32>} : memref<128xf32, #tpu.memory_space<vmem>>, vector<16xf32>,
    %bitcast3A_326 = vector.bitcast %get3A_325 : vector<16xf32> to vector<16xi32>
    %add3A_327 = arith.constant 32768 : i32
    %add3A_328 = vector.broadcast %add3A_327 : i32 to vector<16xi32>
    %add3A_329 = arith.addi %bitcast3A_323, %add3A_328 : vector<16xi32>
    %shift_right_logical3A_330 = arith.constant 16 : i32
    %shift_right_logical3A_331 = vector.broadcast %shift_right_logical3A_330 : i32 to vector<16xi32>
    %shift_right_logical3A_332 = arith.shrui %add3A_329, %shift_right_logical3A_331 : vector<16xi32>
    %add3A_333 = arith.constant 32768 : i32
    %add3A_334 = vector.broadcast %add3A_333 : i32 to vector<16xi32>
    %add3A_335 = arith.addi %bitcast3A_326, %add3A_334 : vector<16xi32>
    %and3A_336 = arith.constant -65536 : i32
    %and3A_337 = vector.broadcast %and3A_336 : i32 to vector<16xi32>
    %and3A_338 = arith.andi %add3A_335, %and3A_337 : vector<16xi32>
    %or3A_339 = arith.ori %shift_right_logical3A_332, %and3A_338 : vector<16xi32>
    %swap3A_340 = arith.constant 112 : index
    %swap3A_341 = tpu.vector_load %arg13[%swap3A_340] {strides = array<i32>} : memref<192xi32, #tpu.memory_space<vmem>>, vector<16xi32>,
    tpu.vector_store %arg13[%swap3A_340], %or3A_339 {strides = array<i32>} : memref<192xi32, #tpu.memory_space<vmem>>, vector<16xi32>,
    %get3A_342 = arith.constant 128 : index
    %get3A_343 = tpu.vector_load %arg10[%get3A_342] {strides = array<i32>} : memref<192xf32, #tpu.memory_space<vmem>>, vector<16xf32>,
    %get3A_344 = arith.constant 128 : index
    %get3A_345 = tpu.vector_load %arg11[%get3A_344] {strides = array<i32>} : memref<192xf32, #tpu.memory_space<vmem>>, vector<16xf32>,
    %mul3A_346 = arith.constant 4.000000e-02 : f32
    %mul3A_347 = vector.broadcast %mul3A_346 : f32 to vector<16xf32>
    %mul3A_348 = arith.mulf %get3A_345, %mul3A_347 : vector<16xf32>
    %add3A_349 = arith.addf %get3A_343, %mul3A_348 : vector<16xf32>
    %swap3A_350 = arith.constant 0 : index
    %swap3A_351 = tpu.vector_load %arg12[%swap3A_350] {strides = array<i32>} : memref<128xf32, #tpu.memory_space<vmem>>, vector<16xf32>,
    tpu.vector_store %arg12[%swap3A_350], %add3A_349 {strides = array<i32>} : memref<128xf32, #tpu.memory_space<vmem>>, vector<16xf32>,
    %get3A_352 = arith.constant 144 : index
    %get3A_353 = tpu.vector_load %arg10[%get3A_352] {strides = array<i32>} : memref<192xf32, #tpu.memory_space<vmem>>, vector<16xf32>,
    %get3A_354 = arith.constant 144 : index
    %get3A_355 = tpu.vector_load %arg11[%get3A_354] {strides = array<i32>} : memref<192xf32, #tpu.memory_space<vmem>>, vector<16xf32>,
    %mul3A_356 = arith.constant 4.000000e-02 : f32
    %mul3A_357 = vector.broadcast %mul3A_356 : f32 to vector<16xf32>
    %mul3A_358 = arith.mulf %get3A_355, %mul3A_357 : vector<16xf32>
    %add3A_359 = arith.addf %get3A_353, %mul3A_358 : vector<16xf32>
    %swap3A_360 = arith.constant 16 : index
    %swap3A_361 = tpu.vector_load %arg12[%swap3A_360] {strides = array<i32>} : memref<128xf32, #tpu.memory_space<vmem>>, vector<16xf32>,
    tpu.vector_store %arg12[%swap3A_360], %add3A_359 {strides = array<i32>} : memref<128xf32, #tpu.memory_space<vmem>>, vector<16xf32>,
    %get3A_362 = arith.constant 160 : index
    %get3A_363 = tpu.vector_load %arg10[%get3A_362] {strides = array<i32>} : memref<192xf32, #tpu.memory_space<vmem>>, vector<16xf32>,
    %get3A_364 = arith.constant 160 : index
    %get3A_365 = tpu.vector_load %arg11[%get3A_364] {strides = array<i32>} : memref<192xf32, #tpu.memory_space<vmem>>, vector<16xf32>,
    %mul3A_366 = arith.constant 4.000000e-02 : f32
    %mul3A_367 = vector.broadcast %mul3A_366 : f32 to vector<16xf32>
    %mul3A_368 = arith.mulf %get3A_365, %mul3A_367 : vector<16xf32>
    %add3A_369 = arith.addf %get3A_363, %mul3A_368 : vector<16xf32>
    %swap3A_370 = arith.constant 32 : index
    %swap3A_371 = tpu.vector_load %arg12[%swap3A_370] {strides = array<i32>} : memref<128xf32, #tpu.memory_space<vmem>>, vector<16xf32>,
    tpu.vector_store %arg12[%swap3A_370], %add3A_369 {strides = array<i32>} : memref<128xf32, #tpu.memory_space<vmem>>, vector<16xf32>,
    %get3A_372 = arith.constant 176 : index
    %get3A_373 = tpu.vector_load %arg10[%get3A_372] {strides = array<i32>} : memref<192xf32, #tpu.memory_space<vmem>>, vector<16xf32>,
    %get3A_374 = arith.constant 176 : index
    %get3A_375 = tpu.vector_load %arg11[%get3A_374] {strides = array<i32>} : memref<192xf32, #tpu.memory_space<vmem>>, vector<16xf32>,
    %mul3A_376 = arith.constant 4.000000e-02 : f32
    %mul3A_377 = vector.broadcast %mul3A_376 : f32 to vector<16xf32>
    %mul3A_378 = arith.mulf %get3A_375, %mul3A_377 : vector<16xf32>
    %add3A_379 = arith.addf %get3A_373, %mul3A_378 : vector<16xf32>
    %swap3A_380 = arith.constant 48 : index
    %swap3A_381 = tpu.vector_load %arg12[%swap3A_380] {strides = array<i32>} : memref<128xf32, #tpu.memory_space<vmem>>, vector<16xf32>,
    tpu.vector_store %arg12[%swap3A_380], %add3A_379 {strides = array<i32>} : memref<128xf32, #tpu.memory_space<vmem>>, vector<16xf32>,
    %add3A_382 = arith.constant 1 : i32
    %add3A_383 = vector.broadcast %add3A_382 : i32 to vector<16xi32>
    %add3A_384 = arith.addi %iota3A, %add3A_383 : vector<16xi32>
    %min3A_385 = arith.constant 63 : i32
    %min3A_386 = vector.broadcast %min3A_385 : i32 to vector<16xi32>
    %min3A_387 = arith.minsi %add3A_384, %min3A_386 : vector<16xi32>
    %gather3A_388 = tpu.vector_load_idx %arg12[%min3A_387] : memref<128xf32, #tpu.memory_space<vmem>>[vector<16xi32>], vector<16xf32>,
    %get3A_389 = arith.constant 0 : index
    %get3A_390 = tpu.vector_load %arg12[%get3A_389] {strides = array<i32>} : memref<128xf32, #tpu.memory_space<vmem>>, vector<16xf32>,
    %sub3A_391 = arith.subf %gather3A_388, %get3A_390 : vector<16xf32>
    %swap3A_392 = arith.constant 64 : index
    %swap3A_393 = tpu.vector_load %arg12[%swap3A_392] {strides = array<i32>} : memref<128xf32, #tpu.memory_space<vmem>>, vector<16xf32>,
    tpu.vector_store %arg12[%swap3A_392], %sub3A_391 {strides = array<i32>} : memref<128xf32, #tpu.memory_space<vmem>>, vector<16xf32>,
    %add3A_394 = arith.constant 17 : i32
    %add3A_395 = vector.broadcast %add3A_394 : i32 to vector<16xi32>
    %add3A_396 = arith.addi %iota3A, %add3A_395 : vector<16xi32>
    %min3A_397 = arith.constant 63 : i32
    %min3A_398 = vector.broadcast %min3A_397 : i32 to vector<16xi32>
    %min3A_399 = arith.minsi %add3A_396, %min3A_398 : vector<16xi32>
    %gather3A_400 = tpu.vector_load_idx %arg12[%min3A_399] : memref<128xf32, #tpu.memory_space<vmem>>[vector<16xi32>], vector<16xf32>,
    %get3A_401 = arith.constant 16 : index
    %get3A_402 = tpu.vector_load %arg12[%get3A_401] {strides = array<i32>} : memref<128xf32, #tpu.memory_space<vmem>>, vector<16xf32>,
    %sub3A_403 = arith.subf %gather3A_400, %get3A_402 : vector<16xf32>
    %swap3A_404 = arith.constant 80 : index
    %swap3A_405 = tpu.vector_load %arg12[%swap3A_404] {strides = array<i32>} : memref<128xf32, #tpu.memory_space<vmem>>, vector<16xf32>,
    tpu.vector_store %arg12[%swap3A_404], %sub3A_403 {strides = array<i32>} : memref<128xf32, #tpu.memory_space<vmem>>, vector<16xf32>,
    %add3A_406 = arith.constant 33 : i32
    %add3A_407 = vector.broadcast %add3A_406 : i32 to vector<16xi32>
    %add3A_408 = arith.addi %iota3A, %add3A_407 : vector<16xi32>
    %min3A_409 = arith.constant 63 : i32
    %min3A_410 = vector.broadcast %min3A_409 : i32 to vector<16xi32>
    %min3A_411 = arith.minsi %add3A_408, %min3A_410 : vector<16xi32>
    %gather3A_412 = tpu.vector_load_idx %arg12[%min3A_411] : memref<128xf32, #tpu.memory_space<vmem>>[vector<16xi32>], vector<16xf32>,
    %get3A_413 = arith.constant 32 : index
    %get3A_414 = tpu.vector_load %arg12[%get3A_413] {strides = array<i32>} : memref<128xf32, #tpu.memory_space<vmem>>, vector<16xf32>,
    %sub3A_415 = arith.subf %gather3A_412, %get3A_414 : vector<16xf32>
    %swap3A_416 = arith.constant 96 : index
    %swap3A_417 = tpu.vector_load %arg12[%swap3A_416] {strides = array<i32>} : memref<128xf32, #tpu.memory_space<vmem>>, vector<16xf32>,
    tpu.vector_store %arg12[%swap3A_416], %sub3A_415 {strides = array<i32>} : memref<128xf32, #tpu.memory_space<vmem>>, vector<16xf32>,
    %add3A_418 = arith.constant 49 : i32
    %add3A_419 = vector.broadcast %add3A_418 : i32 to vector<16xi32>
    %add3A_420 = arith.addi %iota3A, %add3A_419 : vector<16xi32>
    %min3A_421 = arith.constant 63 : i32
    %min3A_422 = vector.broadcast %min3A_421 : i32 to vector<16xi32>
    %min3A_423 = arith.minsi %add3A_420, %min3A_422 : vector<16xi32>
    %gather3A_424 = tpu.vector_load_idx %arg12[%min3A_423] : memref<128xf32, #tpu.memory_space<vmem>>[vector<16xi32>], vector<16xf32>,
    %get3A_425 = arith.constant 48 : index
    %get3A_426 = tpu.vector_load %arg12[%get3A_425] {strides = array<i32>} : memref<128xf32, #tpu.memory_space<vmem>>, vector<16xf32>,
    %sub3A_427 = arith.subf %gather3A_424, %get3A_426 : vector<16xf32>
    %swap3A_428 = arith.constant 112 : index
    %swap3A_429 = tpu.vector_load %arg12[%swap3A_428] {strides = array<i32>} : memref<128xf32, #tpu.memory_space<vmem>>, vector<16xf32>,
    tpu.vector_store %arg12[%swap3A_428], %sub3A_427 {strides = array<i32>} : memref<128xf32, #tpu.memory_space<vmem>>, vector<16xf32>,
    %get3A_430 = arith.constant 0 : index
    %get3A_431 = tpu.vector_load %arg12[%get3A_430] {strides = array<i32>} : memref<128xf32, #tpu.memory_space<vmem>>, vector<16xf32>,
    %bitcast3A_432 = vector.bitcast %get3A_431 : vector<16xf32> to vector<16xi32>
    %get3A_433 = arith.constant 64 : index
    %get3A_434 = tpu.vector_load %arg12[%get3A_433] {strides = array<i32>} : memref<128xf32, #tpu.memory_space<vmem>>, vector<16xf32>,
    %bitcast3A_435 = vector.bitcast %get3A_434 : vector<16xf32> to vector<16xi32>
    %add3A_436 = arith.constant 32768 : i32
    %add3A_437 = vector.broadcast %add3A_436 : i32 to vector<16xi32>
    %add3A_438 = arith.addi %bitcast3A_432, %add3A_437 : vector<16xi32>
    %shift_right_logical3A_439 = arith.constant 16 : i32
    %shift_right_logical3A_440 = vector.broadcast %shift_right_logical3A_439 : i32 to vector<16xi32>
    %shift_right_logical3A_441 = arith.shrui %add3A_438, %shift_right_logical3A_440 : vector<16xi32>
    %add3A_442 = arith.constant 32768 : i32
    %add3A_443 = vector.broadcast %add3A_442 : i32 to vector<16xi32>
    %add3A_444 = arith.addi %bitcast3A_435, %add3A_443 : vector<16xi32>
    %and3A_445 = arith.constant -65536 : i32
    %and3A_446 = vector.broadcast %and3A_445 : i32 to vector<16xi32>
    %and3A_447 = arith.andi %add3A_444, %and3A_446 : vector<16xi32>
    %or3A_448 = arith.ori %shift_right_logical3A_441, %and3A_447 : vector<16xi32>
    %swap3A_449 = arith.constant 128 : index
    %swap3A_450 = tpu.vector_load %arg13[%swap3A_449] {strides = array<i32>} : memref<192xi32, #tpu.memory_space<vmem>>, vector<16xi32>,
    tpu.vector_store %arg13[%swap3A_449], %or3A_448 {strides = array<i32>} : memref<192xi32, #tpu.memory_space<vmem>>, vector<16xi32>,
    %get3A_451 = arith.constant 16 : index
    %get3A_452 = tpu.vector_load %arg12[%get3A_451] {strides = array<i32>} : memref<128xf32, #tpu.memory_space<vmem>>, vector<16xf32>,
    %bitcast3A_453 = vector.bitcast %get3A_452 : vector<16xf32> to vector<16xi32>
    %get3A_454 = arith.constant 80 : index
    %get3A_455 = tpu.vector_load %arg12[%get3A_454] {strides = array<i32>} : memref<128xf32, #tpu.memory_space<vmem>>, vector<16xf32>,
    %bitcast3A_456 = vector.bitcast %get3A_455 : vector<16xf32> to vector<16xi32>
    %add3A_457 = arith.constant 32768 : i32
    %add3A_458 = vector.broadcast %add3A_457 : i32 to vector<16xi32>
    %add3A_459 = arith.addi %bitcast3A_453, %add3A_458 : vector<16xi32>
    %shift_right_logical3A_460 = arith.constant 16 : i32
    %shift_right_logical3A_461 = vector.broadcast %shift_right_logical3A_460 : i32 to vector<16xi32>
    %shift_right_logical3A_462 = arith.shrui %add3A_459, %shift_right_logical3A_461 : vector<16xi32>
    %add3A_463 = arith.constant 32768 : i32
    %add3A_464 = vector.broadcast %add3A_463 : i32 to vector<16xi32>
    %add3A_465 = arith.addi %bitcast3A_456, %add3A_464 : vector<16xi32>
    %and3A_466 = arith.constant -65536 : i32
    %and3A_467 = vector.broadcast %and3A_466 : i32 to vector<16xi32>
    %and3A_468 = arith.andi %add3A_465, %and3A_467 : vector<16xi32>
    %or3A_469 = arith.ori %shift_right_logical3A_462, %and3A_468 : vector<16xi32>
    %swap3A_470 = arith.constant 144 : index
    %swap3A_471 = tpu.vector_load %arg13[%swap3A_470] {strides = array<i32>} : memref<192xi32, #tpu.memory_space<vmem>>, vector<16xi32>,
    tpu.vector_store %arg13[%swap3A_470], %or3A_469 {strides = array<i32>} : memref<192xi32, #tpu.memory_space<vmem>>, vector<16xi32>,
    %get3A_472 = arith.constant 32 : index
    %get3A_473 = tpu.vector_load %arg12[%get3A_472] {strides = array<i32>} : memref<128xf32, #tpu.memory_space<vmem>>, vector<16xf32>,
    %bitcast3A_474 = vector.bitcast %get3A_473 : vector<16xf32> to vector<16xi32>
    %get3A_475 = arith.constant 96 : index
    %get3A_476 = tpu.vector_load %arg12[%get3A_475] {strides = array<i32>} : memref<128xf32, #tpu.memory_space<vmem>>, vector<16xf32>,
    %bitcast3A_477 = vector.bitcast %get3A_476 : vector<16xf32> to vector<16xi32>
    %add3A_478 = arith.constant 32768 : i32
    %add3A_479 = vector.broadcast %add3A_478 : i32 to vector<16xi32>
    %add3A_480 = arith.addi %bitcast3A_474, %add3A_479 : vector<16xi32>
    %shift_right_logical3A_481 = arith.constant 16 : i32
    %shift_right_logical3A_482 = vector.broadcast %shift_right_logical3A_481 : i32 to vector<16xi32>
    %shift_right_logical3A_483 = arith.shrui %add3A_480, %shift_right_logical3A_482 : vector<16xi32>
    %add3A_484 = arith.constant 32768 : i32
    %add3A_485 = vector.broadcast %add3A_484 : i32 to vector<16xi32>
    %add3A_486 = arith.addi %bitcast3A_477, %add3A_485 : vector<16xi32>
    %and3A_487 = arith.constant -65536 : i32
    %and3A_488 = vector.broadcast %and3A_487 : i32 to vector<16xi32>
    %and3A_489 = arith.andi %add3A_486, %and3A_488 : vector<16xi32>
    %or3A_490 = arith.ori %shift_right_logical3A_483, %and3A_489 : vector<16xi32>
    %swap3A_491 = arith.constant 160 : index
    %swap3A_492 = tpu.vector_load %arg13[%swap3A_491] {strides = array<i32>} : memref<192xi32, #tpu.memory_space<vmem>>, vector<16xi32>,
    tpu.vector_store %arg13[%swap3A_491], %or3A_490 {strides = array<i32>} : memref<192xi32, #tpu.memory_space<vmem>>, vector<16xi32>,
    %get3A_493 = arith.constant 48 : index
    %get3A_494 = tpu.vector_load %arg12[%get3A_493] {strides = array<i32>} : memref<128xf32, #tpu.memory_space<vmem>>, vector<16xf32>,
    %bitcast3A_495 = vector.bitcast %get3A_494 : vector<16xf32> to vector<16xi32>
    %get3A_496 = arith.constant 112 : index
    %get3A_497 = tpu.vector_load %arg12[%get3A_496] {strides = array<i32>} : memref<128xf32, #tpu.memory_space<vmem>>, vector<16xf32>,
    %bitcast3A_498 = vector.bitcast %get3A_497 : vector<16xf32> to vector<16xi32>
    %add3A_499 = arith.constant 32768 : i32
    %add3A_500 = vector.broadcast %add3A_499 : i32 to vector<16xi32>
    %add3A_501 = arith.addi %bitcast3A_495, %add3A_500 : vector<16xi32>
    %shift_right_logical3A_502 = arith.constant 16 : i32
    %shift_right_logical3A_503 = vector.broadcast %shift_right_logical3A_502 : i32 to vector<16xi32>
    %shift_right_logical3A_504 = arith.shrui %add3A_501, %shift_right_logical3A_503 : vector<16xi32>
    %add3A_505 = arith.constant 32768 : i32
    %add3A_506 = vector.broadcast %add3A_505 : i32 to vector<16xi32>
    %add3A_507 = arith.addi %bitcast3A_498, %add3A_506 : vector<16xi32>
    %and3A_508 = arith.constant -65536 : i32
    %and3A_509 = vector.broadcast %and3A_508 : i32 to vector<16xi32>
    %and3A_510 = arith.andi %add3A_507, %and3A_509 : vector<16xi32>
    %or3A_511 = arith.ori %shift_right_logical3A_504, %and3A_510 : vector<16xi32>
    %swap3A_512 = arith.constant 176 : index
    %swap3A_513 = tpu.vector_load %arg13[%swap3A_512] {strides = array<i32>} : memref<192xi32, #tpu.memory_space<vmem>>, vector<16xi32>,
    tpu.vector_store %arg13[%swap3A_512], %or3A_511 {strides = array<i32>} : memref<192xi32, #tpu.memory_space<vmem>>, vector<16xi32>,
    %mul3A_514 = arith.constant 262144 : i32
    %mul3A_515 = arith.muli %mul3A_2, %mul3A_514 : i32
    %add3A_516 = arith.constant 0 : i32
    %add3A_517 = arith.addi %mul3A_515, %add3A_516 : i32
    %dma_start3A = tpu.memref_slice %arg4[%add3A_517] : memref<25165824xf32, #tpu.memory_space<hbm>> -> memref<16384xf32, #tpu.memory_space<hbm>>
    %dma_start3A_518 = tpu.memref_slice %arg4[%add3A_517] : memref<25165824xf32, #tpu.memory_space<hbm>> -> memref<16384xf32, #tpu.memory_space<hbm>>
    tpu.enqueue_dma source(%dma_start3A_518 : memref<16384xf32, #tpu.memory_space<hbm>>) target(%arg6 : memref<16384xf32, #tpu.memory_space<vmem>>) target_semaphore(%arg14 : memref<!tpu.dma_semaphore, #tpu.memory_space<semaphore_mem>>)
    %mul3A_519 = arith.constant 262144 : i32
    %mul3A_520 = arith.muli %mul3A_2, %mul3A_519 : i32
    %add3A_521 = arith.constant 16384 : i32
    %add3A_522 = arith.addi %mul3A_520, %add3A_521 : i32
    %dma_start3A_523 = tpu.memref_slice %arg4[%add3A_522] : memref<25165824xf32, #tpu.memory_space<hbm>> -> memref<16384xf32, #tpu.memory_space<hbm>>
    %dma_start3A_524 = tpu.memref_slice %arg4[%add3A_522] : memref<25165824xf32, #tpu.memory_space<hbm>> -> memref<16384xf32, #tpu.memory_space<hbm>>
    tpu.enqueue_dma source(%dma_start3A_524 : memref<16384xf32, #tpu.memory_space<hbm>>) target(%arg7 : memref<16384xf32, #tpu.memory_space<vmem>>) target_semaphore(%arg15 : memref<!tpu.dma_semaphore, #tpu.memory_space<semaphore_mem>>)
    %scan3A = arith.constant 0 : i32
    %scan3A_525 = arith.constant 24 : i32
    %scan3A_526 = arith.addi %scan3A, %scan3A_525 : i32
    %scan3A_527 = arith.constant 1 : i32
    scf.for %scan3A_540 = %scan3A to %scan3A_526 step %scan3A_527  : i32 {
      %mul3A_541 = arith.constant 2 : i32
      %mul3A_542 = arith.muli %scan3A_540, %mul3A_541 : i32
      %add3A_543 = arith.constant 0 : i32
      %add3A_544 = arith.addi %add3A_543, %mul3A_542 : i32
      %add3A_545 = arith.constant 0 : i32
      %add3A_546 = arith.addi %add3A_544, %add3A_545 : i32
      %jit3A = arith.constant 16 : i32
      %div3A = arith.divsi %add3A_546, %jit3A : i32
      %sign3A = arith.constant 0 : i32
      %sign3A_547 = arith.cmpi sgt, %add3A_546, %sign3A : i32
      %sign3A_548 = arith.extui %sign3A_547 : i1 to i32
      %sign3A_549 = arith.constant 0 : i32
      %sign3A_550 = arith.cmpi slt, %add3A_546, %sign3A_549 : i32
      %sign3A_551 = arith.extui %sign3A_550 : i1 to i32
      %sign3A_552 = arith.subi %sign3A_548, %sign3A_551 : i32
      %sign3A_553 = arith.constant 0 : i32
      %sign3A_554 = arith.cmpi sgt, %jit3A, %sign3A_553 : i32
      %sign3A_555 = arith.extui %sign3A_554 : i1 to i32
      %sign3A_556 = arith.constant 0 : i32
      %sign3A_557 = arith.cmpi slt, %jit3A, %sign3A_556 : i32
      %sign3A_558 = arith.extui %sign3A_557 : i1 to i32
      %sign3A_559 = arith.subi %sign3A_555, %sign3A_558 : i32
      %ne3A = arith.cmpi ne, %sign3A_552, %sign3A_559 : i32
      %rem3A = arith.remsi %add3A_546, %jit3A : i32
      %ne3A_560 = arith.constant 0 : i32
      %ne3A_561 = arith.cmpi ne, %rem3A, %ne3A_560 : i32
      %and3A_562 = arith.andi %ne3A, %ne3A_561 : i1
      %sub3A_563 = arith.constant 1 : i32
      %sub3A_564 = arith.subi %div3A, %sub3A_563 : i32
      %select_n3A = arith.select %and3A_562, %sub3A_564, %div3A : i32
      %mul3A_565 = arith.constant 64 : i32
      %mul3A_566 = arith.muli %select_n3A, %mul3A_565 : i32
      %mul3A_567 = arith.constant 262144 : i32
      %mul3A_568 = arith.muli %mul3A_2, %mul3A_567 : i32
      %mul3A_569 = arith.constant 16384 : i32
      %mul3A_570 = arith.muli %add3A_546, %mul3A_569 : i32
      %add3A_571 = arith.addi %mul3A_568, %mul3A_570 : i32
      %dma_wait3A_572 = tpu.memref_slice %arg4[%add3A_571] : memref<25165824xf32, #tpu.memory_space<hbm>> -> memref<16384xf32, #tpu.memory_space<hbm>>
      %dma_wait3A_573 = tpu.memref_slice %arg4[%add3A_571] : memref<25165824xf32, #tpu.memory_space<hbm>> -> memref<16384xf32, #tpu.memory_space<hbm>>
      tpu.wait_dma2 semaphore(%arg14 : memref<!tpu.dma_semaphore, #tpu.memory_space<semaphore_mem>>) src(%dma_wait3A_573 : memref<16384xf32, #tpu.memory_space<hbm>>) dst(%arg6 : memref<16384xf32, #tpu.memory_space<vmem>>)
      %gt3A = arith.constant 0 : i32
      %gt3A_574 = arith.cmpi sgt, %add3A_544, %gt3A : i32
      %convert_element_type3A = arith.extui %gt3A_574 : i1 to i32
      %cond3A = arith.constant 0 : i32
      %cond3A_575 = arith.cmpi ne, %convert_element_type3A, %cond3A : i32
      scf.if %cond3A_575 {
        %sub3A_652 = arith.constant 2 : i32
        %sub3A_653 = arith.subi %add3A_546, %sub3A_652 : i32
        %mul3A_654 = arith.constant 262144 : i32
        %mul3A_655 = arith.muli %mul3A_2, %mul3A_654 : i32
        %mul3A_656 = arith.constant 16384 : i32
        %mul3A_657 = arith.muli %sub3A_653, %mul3A_656 : i32
        %add3A_658 = arith.addi %mul3A_655, %mul3A_657 : i32
        %dma_wait3A_659 = tpu.memref_slice %arg5[%add3A_658] : memref<25165824xf32, #tpu.memory_space<hbm>> -> memref<16384xf32, #tpu.memory_space<hbm>>
        %dma_wait3A_660 = tpu.memref_slice %arg5[%add3A_658] : memref<25165824xf32, #tpu.memory_space<hbm>> -> memref<16384xf32, #tpu.memory_space<hbm>>
        tpu.wait_dma2 semaphore(%arg16 : memref<!tpu.dma_semaphore, #tpu.memory_space<semaphore_mem>>) src(%arg8 : memref<16384xf32, #tpu.memory_space<vmem>>) dst(%dma_wait3A_660 : memref<16384xf32, #tpu.memory_space<hbm>>)
      } else {
      }
      %parallel_loop3A = arith.constant 0 : i32
      %parallel_loop3A_576 = arith.constant 16384 : i32
      %parallel_loop3A_577 = arith.constant 16 : i32
      scf.for %parallel_loop3A_652 = %parallel_loop3A to %parallel_loop3A_576 step %parallel_loop3A_577  : i32 {
        %parallel_loop3A_653 = arith.index_cast %parallel_loop3A_652 : i32 to index
        %parallel_loop3A_654 = tpu.vector_load %arg6[%parallel_loop3A_653] {strides = array<i32>} : memref<16384xf32, #tpu.memory_space<vmem>>, vector<16xf32>,
        %parallel_loop3A_655 = arith.constant 6.300000e+01 : f32
        %parallel_loop3A_656 = vector.broadcast %parallel_loop3A_655 : f32 to vector<16xf32>
        %parallel_loop3A_657 = arith.mulf %parallel_loop3A_654, %parallel_loop3A_656 : vector<16xf32>
        %parallel_loop3A_658 = arith.fptosi %parallel_loop3A_657 : vector<16xf32> to vector<16xi32>
        %parallel_loop3A_659 = arith.sitofp %parallel_loop3A_658 : vector<16xi32> to vector<16xf32>
        %parallel_loop3A_660 = arith.subf %parallel_loop3A_657, %parallel_loop3A_659 : vector<16xf32>
        %parallel_loop3A_661 = vector.broadcast %mul3A_566 : i32 to vector<16xi32>
        %parallel_loop3A_662 = arith.addi %parallel_loop3A_658, %parallel_loop3A_661 : vector<16xi32>
        %parallel_loop3A_663 = tpu.vector_load_idx %arg13[%parallel_loop3A_662] : memref<192xi32, #tpu.memory_space<vmem>>[vector<16xi32>], vector<16xi32>,
        %parallel_loop3A_664 = arith.constant 16 : i32
        %parallel_loop3A_665 = vector.broadcast %parallel_loop3A_664 : i32 to vector<16xi32>
        %parallel_loop3A_666 = arith.shli %parallel_loop3A_663, %parallel_loop3A_665 : vector<16xi32>
        %parallel_loop3A_667 = vector.bitcast %parallel_loop3A_666 : vector<16xi32> to vector<16xf32>
        %parallel_loop3A_668 = vector.bitcast %parallel_loop3A_663 : vector<16xi32> to vector<16xf32>
        %parallel_loop3A_669 = arith.mulf %parallel_loop3A_660, %parallel_loop3A_668 : vector<16xf32>
        %parallel_loop3A_670 = arith.addf %parallel_loop3A_667, %parallel_loop3A_669 : vector<16xf32>
        %parallel_loop3A_671 = arith.index_cast %parallel_loop3A_652 : i32 to index
        %parallel_loop3A_672 = tpu.vector_load %arg8[%parallel_loop3A_671] {strides = array<i32>} : memref<16384xf32, #tpu.memory_space<vmem>>, vector<16xf32>,
        tpu.vector_store %arg8[%parallel_loop3A_671], %parallel_loop3A_670 {strides = array<i32>} : memref<16384xf32, #tpu.memory_space<vmem>>, vector<16xf32>,
      } {sc.loop_unroll_factor = 6 : i64, sc.parallel_access}
      %add3A_578 = arith.constant 0 : i32
      %add3A_579 = arith.addi %add3A_544, %add3A_578 : i32
      %add3A_580 = arith.constant 2 : i32
      %add3A_581 = arith.addi %add3A_579, %add3A_580 : i32
      %lt3A = arith.constant 48 : i32
      %lt3A_582 = arith.cmpi slt, %add3A_581, %lt3A : i32
      %convert_element_type3A_583 = arith.extui %lt3A_582 : i1 to i32
      %cond3A_584 = arith.constant 0 : i32
      %cond3A_585 = arith.cmpi ne, %convert_element_type3A_583, %cond3A_584 : i32
      scf.if %cond3A_585 {
        %add3A_652 = arith.constant 2 : i32
        %add3A_653 = arith.addi %add3A_546, %add3A_652 : i32
        %mul3A_654 = arith.constant 262144 : i32
        %mul3A_655 = arith.muli %mul3A_2, %mul3A_654 : i32
        %mul3A_656 = arith.constant 16384 : i32
        %mul3A_657 = arith.muli %add3A_653, %mul3A_656 : i32
        %add3A_658 = arith.addi %mul3A_655, %mul3A_657 : i32
        %dma_start3A_659 = tpu.memref_slice %arg4[%add3A_658] : memref<25165824xf32, #tpu.memory_space<hbm>> -> memref<16384xf32, #tpu.memory_space<hbm>>
        %dma_start3A_660 = tpu.memref_slice %arg4[%add3A_658] : memref<25165824xf32, #tpu.memory_space<hbm>> -> memref<16384xf32, #tpu.memory_space<hbm>>
        tpu.enqueue_dma source(%dma_start3A_660 : memref<16384xf32, #tpu.memory_space<hbm>>) target(%arg6 : memref<16384xf32, #tpu.memory_space<vmem>>) target_semaphore(%arg14 : memref<!tpu.dma_semaphore, #tpu.memory_space<semaphore_mem>>)
      } else {
      }
      %mul3A_586 = arith.constant 262144 : i32
      %mul3A_587 = arith.muli %mul3A_2, %mul3A_586 : i32
      %mul3A_588 = arith.constant 16384 : i32
      %mul3A_589 = arith.muli %add3A_546, %mul3A_588 : i32
      %add3A_590 = arith.addi %mul3A_587, %mul3A_589 : i32
      %dma_start3A_591 = tpu.memref_slice %arg5[%add3A_590] : memref<25165824xf32, #tpu.memory_space<hbm>> -> memref<16384xf32, #tpu.memory_space<hbm>>
      %dma_start3A_592 = tpu.memref_slice %arg5[%add3A_590] : memref<25165824xf32, #tpu.memory_space<hbm>> -> memref<16384xf32, #tpu.memory_space<hbm>>
      tpu.enqueue_dma source(%arg8 : memref<16384xf32, #tpu.memory_space<vmem>>) target(%dma_start3A_592 : memref<16384xf32, #tpu.memory_space<hbm>>) target_semaphore(%arg16 : memref<!tpu.dma_semaphore, #tpu.memory_space<semaphore_mem>>)
      %add3A_593 = arith.constant 1 : i32
      %add3A_594 = arith.addi %add3A_544, %add3A_593 : i32
      %jit3A_595 = arith.constant 16 : i32
      %div3A_596 = arith.divsi %add3A_594, %jit3A_595 : i32
      %sign3A_597 = arith.constant 0 : i32
      %sign3A_598 = arith.cmpi sgt, %add3A_594, %sign3A_597 : i32
      %sign3A_599 = arith.extui %sign3A_598 : i1 to i32
      %sign3A_600 = arith.constant 0 : i32
      %sign3A_601 = arith.cmpi slt, %add3A_594, %sign3A_600 : i32
      %sign3A_602 = arith.extui %sign3A_601 : i1 to i32
      %sign3A_603 = arith.subi %sign3A_599, %sign3A_602 : i32
      %sign3A_604 = arith.constant 0 : i32
      %sign3A_605 = arith.cmpi sgt, %jit3A_595, %sign3A_604 : i32
      %sign3A_606 = arith.extui %sign3A_605 : i1 to i32
      %sign3A_607 = arith.constant 0 : i32
      %sign3A_608 = arith.cmpi slt, %jit3A_595, %sign3A_607 : i32
      %sign3A_609 = arith.extui %sign3A_608 : i1 to i32
      %sign3A_610 = arith.subi %sign3A_606, %sign3A_609 : i32
      %ne3A_611 = arith.cmpi ne, %sign3A_603, %sign3A_610 : i32
      %rem3A_612 = arith.remsi %add3A_594, %jit3A_595 : i32
      %ne3A_613 = arith.constant 0 : i32
      %ne3A_614 = arith.cmpi ne, %rem3A_612, %ne3A_613 : i32
      %and3A_615 = arith.andi %ne3A_611, %ne3A_614 : i1
      %sub3A_616 = arith.constant 1 : i32
      %sub3A_617 = arith.subi %div3A_596, %sub3A_616 : i32
      %select_n3A_618 = arith.select %and3A_615, %sub3A_617, %div3A_596 : i32
      %mul3A_619 = arith.constant 64 : i32
      %mul3A_620 = arith.muli %select_n3A_618, %mul3A_619 : i32
      %mul3A_621 = arith.constant 262144 : i32
      %mul3A_622 = arith.muli %mul3A_2, %mul3A_621 : i32
      %mul3A_623 = arith.constant 16384 : i32
      %mul3A_624 = arith.muli %add3A_594, %mul3A_623 : i32
      %add3A_625 = arith.addi %mul3A_622, %mul3A_624 : i32
      %dma_wait3A_626 = tpu.memref_slice %arg4[%add3A_625] : memref<25165824xf32, #tpu.memory_space<hbm>> -> memref<16384xf32, #tpu.memory_space<hbm>>
      %dma_wait3A_627 = tpu.memref_slice %arg4[%add3A_625] : memref<25165824xf32, #tpu.memory_space<hbm>> -> memref<16384xf32, #tpu.memory_space<hbm>>
      tpu.wait_dma2 semaphore(%arg15 : memref<!tpu.dma_semaphore, #tpu.memory_space<semaphore_mem>>) src(%dma_wait3A_627 : memref<16384xf32, #tpu.memory_space<hbm>>) dst(%arg7 : memref<16384xf32, #tpu.memory_space<vmem>>)
      %gt3A_628 = arith.constant 0 : i32
      %gt3A_629 = arith.cmpi sgt, %add3A_544, %gt3A_628 : i32
      %convert_element_type3A_630 = arith.extui %gt3A_629 : i1 to i32
      %cond3A_631 = arith.constant 0 : i32
      %cond3A_632 = arith.cmpi ne, %convert_element_type3A_630, %cond3A_631 : i32
      scf.if %cond3A_632 {
        %sub3A_652 = arith.constant 2 : i32
        %sub3A_653 = arith.subi %add3A_594, %sub3A_652 : i32
        %mul3A_654 = arith.constant 262144 : i32
        %mul3A_655 = arith.muli %mul3A_2, %mul3A_654 : i32
        %mul3A_656 = arith.constant 16384 : i32
        %mul3A_657 = arith.muli %sub3A_653, %mul3A_656 : i32
        %add3A_658 = arith.addi %mul3A_655, %mul3A_657 : i32
        %dma_wait3A_659 = tpu.memref_slice %arg5[%add3A_658] : memref<25165824xf32, #tpu.memory_space<hbm>> -> memref<16384xf32, #tpu.memory_space<hbm>>
        %dma_wait3A_660 = tpu.memref_slice %arg5[%add3A_658] : memref<25165824xf32, #tpu.memory_space<hbm>> -> memref<16384xf32, #tpu.memory_space<hbm>>
        tpu.wait_dma2 semaphore(%arg17 : memref<!tpu.dma_semaphore, #tpu.memory_space<semaphore_mem>>) src(%arg9 : memref<16384xf32, #tpu.memory_space<vmem>>) dst(%dma_wait3A_660 : memref<16384xf32, #tpu.memory_space<hbm>>)
      } else {
      }
      %parallel_loop3A_633 = arith.constant 0 : i32
      %parallel_loop3A_634 = arith.constant 16384 : i32
      %parallel_loop3A_635 = arith.constant 16 : i32
      scf.for %parallel_loop3A_652 = %parallel_loop3A_633 to %parallel_loop3A_634 step %parallel_loop3A_635  : i32 {
        %parallel_loop3A_653 = arith.index_cast %parallel_loop3A_652 : i32 to index
        %parallel_loop3A_654 = tpu.vector_load %arg7[%parallel_loop3A_653] {strides = array<i32>} : memref<16384xf32, #tpu.memory_space<vmem>>, vector<16xf32>,
        %parallel_loop3A_655 = arith.constant 6.300000e+01 : f32
        %parallel_loop3A_656 = vector.broadcast %parallel_loop3A_655 : f32 to vector<16xf32>
        %parallel_loop3A_657 = arith.mulf %parallel_loop3A_654, %parallel_loop3A_656 : vector<16xf32>
        %parallel_loop3A_658 = arith.fptosi %parallel_loop3A_657 : vector<16xf32> to vector<16xi32>
        %parallel_loop3A_659 = arith.sitofp %parallel_loop3A_658 : vector<16xi32> to vector<16xf32>
        %parallel_loop3A_660 = arith.subf %parallel_loop3A_657, %parallel_loop3A_659 : vector<16xf32>
        %parallel_loop3A_661 = vector.broadcast %mul3A_620 : i32 to vector<16xi32>
        %parallel_loop3A_662 = arith.addi %parallel_loop3A_658, %parallel_loop3A_661 : vector<16xi32>
        %parallel_loop3A_663 = tpu.vector_load_idx %arg13[%parallel_loop3A_662] : memref<192xi32, #tpu.memory_space<vmem>>[vector<16xi32>], vector<16xi32>,
        %parallel_loop3A_664 = arith.constant 16 : i32
        %parallel_loop3A_665 = vector.broadcast %parallel_loop3A_664 : i32 to vector<16xi32>
        %parallel_loop3A_666 = arith.shli %parallel_loop3A_663, %parallel_loop3A_665 : vector<16xi32>
        %parallel_loop3A_667 = vector.bitcast %parallel_loop3A_666 : vector<16xi32> to vector<16xf32>
        %parallel_loop3A_668 = vector.bitcast %parallel_loop3A_663 : vector<16xi32> to vector<16xf32>
        %parallel_loop3A_669 = arith.mulf %parallel_loop3A_660, %parallel_loop3A_668 : vector<16xf32>
        %parallel_loop3A_670 = arith.addf %parallel_loop3A_667, %parallel_loop3A_669 : vector<16xf32>
        %parallel_loop3A_671 = arith.index_cast %parallel_loop3A_652 : i32 to index
        %parallel_loop3A_672 = tpu.vector_load %arg9[%parallel_loop3A_671] {strides = array<i32>} : memref<16384xf32, #tpu.memory_space<vmem>>, vector<16xf32>,
        tpu.vector_store %arg9[%parallel_loop3A_671], %parallel_loop3A_670 {strides = array<i32>} : memref<16384xf32, #tpu.memory_space<vmem>>, vector<16xf32>,
      } {sc.loop_unroll_factor = 6 : i64, sc.parallel_access}
      %add3A_636 = arith.constant 1 : i32
      %add3A_637 = arith.addi %add3A_544, %add3A_636 : i32
      %add3A_638 = arith.constant 2 : i32
      %add3A_639 = arith.addi %add3A_637, %add3A_638 : i32
      %lt3A_640 = arith.constant 48 : i32
      %lt3A_641 = arith.cmpi slt, %add3A_639, %lt3A_640 : i32
      %convert_element_type3A_642 = arith.extui %lt3A_641 : i1 to i32
      %cond3A_643 = arith.constant 0 : i32
      %cond3A_644 = arith.cmpi ne, %convert_element_type3A_642, %cond3A_643 : i32
      scf.if %cond3A_644 {
        %add3A_652 = arith.constant 2 : i32
        %add3A_653 = arith.addi %add3A_594, %add3A_652 : i32
        %mul3A_654 = arith.constant 262144 : i32
        %mul3A_655 = arith.muli %mul3A_2, %mul3A_654 : i32
        %mul3A_656 = arith.constant 16384 : i32
        %mul3A_657 = arith.muli %add3A_653, %mul3A_656 : i32
        %add3A_658 = arith.addi %mul3A_655, %mul3A_657 : i32
        %dma_start3A_659 = tpu.memref_slice %arg4[%add3A_658] : memref<25165824xf32, #tpu.memory_space<hbm>> -> memref<16384xf32, #tpu.memory_space<hbm>>
        %dma_start3A_660 = tpu.memref_slice %arg4[%add3A_658] : memref<25165824xf32, #tpu.memory_space<hbm>> -> memref<16384xf32, #tpu.memory_space<hbm>>
        tpu.enqueue_dma source(%dma_start3A_660 : memref<16384xf32, #tpu.memory_space<hbm>>) target(%arg7 : memref<16384xf32, #tpu.memory_space<vmem>>) target_semaphore(%arg15 : memref<!tpu.dma_semaphore, #tpu.memory_space<semaphore_mem>>)
      } else {
      }
      %mul3A_645 = arith.constant 262144 : i32
      %mul3A_646 = arith.muli %mul3A_2, %mul3A_645 : i32
      %mul3A_647 = arith.constant 16384 : i32
      %mul3A_648 = arith.muli %add3A_594, %mul3A_647 : i32
      %add3A_649 = arith.addi %mul3A_646, %mul3A_648 : i32
      %dma_start3A_650 = tpu.memref_slice %arg5[%add3A_649] : memref<25165824xf32, #tpu.memory_space<hbm>> -> memref<16384xf32, #tpu.memory_space<hbm>>
      %dma_start3A_651 = tpu.memref_slice %arg5[%add3A_649] : memref<25165824xf32, #tpu.memory_space<hbm>> -> memref<16384xf32, #tpu.memory_space<hbm>>
      tpu.enqueue_dma source(%arg9 : memref<16384xf32, #tpu.memory_space<vmem>>) target(%dma_start3A_651 : memref<16384xf32, #tpu.memory_space<hbm>>) target_semaphore(%arg17 : memref<!tpu.dma_semaphore, #tpu.memory_space<semaphore_mem>>)
    }
    %scan3A_528 = arith.constant 24 : i32
    %mul3A_529 = arith.constant 262144 : i32
    %mul3A_530 = arith.muli %mul3A_2, %mul3A_529 : i32
    %add3A_531 = arith.constant 753664 : i32
    %add3A_532 = arith.addi %mul3A_530, %add3A_531 : i32
    %dma_wait3A = tpu.memref_slice %arg5[%add3A_532] : memref<25165824xf32, #tpu.memory_space<hbm>> -> memref<16384xf32, #tpu.memory_space<hbm>>
    %dma_wait3A_533 = tpu.memref_slice %arg5[%add3A_532] : memref<25165824xf32, #tpu.memory_space<hbm>> -> memref<16384xf32, #tpu.memory_space<hbm>>
    tpu.wait_dma2 semaphore(%arg16 : memref<!tpu.dma_semaphore, #tpu.memory_space<semaphore_mem>>) src(%arg8 : memref<16384xf32, #tpu.memory_space<vmem>>) dst(%dma_wait3A_533 : memref<16384xf32, #tpu.memory_space<hbm>>)
    %mul3A_534 = arith.constant 262144 : i32
    %mul3A_535 = arith.muli %mul3A_2, %mul3A_534 : i32
    %add3A_536 = arith.constant 770048 : i32
    %add3A_537 = arith.addi %mul3A_535, %add3A_536 : i32
    %dma_wait3A_538 = tpu.memref_slice %arg5[%add3A_537] : memref<25165824xf32, #tpu.memory_space<hbm>> -> memref<16384xf32, #tpu.memory_space<hbm>>
    %dma_wait3A_539 = tpu.memref_slice %arg5[%add3A_537] : memref<25165824xf32, #tpu.memory_space<hbm>> -> memref<16384xf32, #tpu.memory_space<hbm>>
    tpu.wait_dma2 semaphore(%arg17 : memref<!tpu.dma_semaphore, #tpu.memory_space<semaphore_mem>>) src(%arg9 : memref<16384xf32, #tpu.memory_space<vmem>>) dst(%dma_wait3A_539 : memref<16384xf32, #tpu.memory_space<hbm>>)
    return
  }
}

</mosaic_0001>

<sc_bundles>
// kernel: kernel.3.cloned.1.call-start
scs
__scs_entry_jumppad:
0x0: {  	(pc) =	sbr.rel $0x88, $3  }
0x1: {  	(tag) =	ssettag $0x0;
	lr =	simm.s32 $0x1  }
0x2: {  	[smem:$0x3F9E] =	sst lr;
	_ =	strace $0xD0000000  }
0x3: {  	_ = 	snop  }
0x4: {  	_ = 	snop  }
0x5: {  	_ = 	snop  }
0x6: {  	_ = 	snop  }
0x7: {  	_ = 	snop  }
__scs_overlays_trampoline_lowered:
0x8: {  	[smem:$0x3FAD] =	sst s0  }
0x9: {  	[smem:$0x3FAE] =	sst s1  }
0xa: {  	[smem:$0x3FAF] =	sst s2  }
0xb: {  	[smem:$0x3FB0] =	sst s3  }
0xc: {  	[smem:$0x3FB1] =	sst s4  }
0xd: {  	[smem:$0x3FB2] =	sst s5  }
0xe: {  	[smem:$0x3FB3] =	sst s6  }
0xf: {  	[smem:$0x3FB4] =	sst s7  }
0x10: {  	[smem:$0x3FB5] =	sst s8  }
0x11: {  	[smem:$0x3FB6] =	sst s9;
	s0 =	simm.s32 @!p0 $0x0  }
0x12: {  	s1 =	sld [smem:$0x3F9C];
	s0 =	simm.s32 @p0 $0x1  }
0x13: {  	[smem:$0x3FB7] =	sst s0;
	s0 =	simm.s32 @!p1 $0x0  }
0x14: {  	s2 =	sld [smem:$0x3F9B];
	s0 =	simm.s32 @p1 $0x1  }
0x15: {  	[smem:$0x3FB8] =	sst s0;
	s0 =	simm.s32 @!p2 $0x0  }
0x16: {  	s3 =	sld [smem:$0x3FDB];
	s0 =	simm.s32 @p2 $0x1  }
0x17: {  	s4 =	simm.s32 $0x1BF5;
	[smem:$0x3FBA] =	sst s0  }
0x18: {  	s0 =	sld [smem:$0x3F9D];
	_ =	swait.ge [sflag:s4], $0x0  }
0x19: {  	s7 =	sld [smem:$0x3F9E]  }
0x1a: {  	s8 =	sadd.s32 $0xFFFFE003, lr  }
0x1b: {  	s9 =	sadd.s32 $0xFFFFFEF7, lr;
	s5 =	simm.s32 $0xFFFFFFFF;
	p2 =	slt.u32 s8, $0xFFFFF086  }
0x1c: {  	p1 =	slt.u32 s9, $0xF7A;
	s5 =	simm.s32 @!p2 $0x0  }
0x1d: {  	s5 =	simm.s32 @p1 $0x1;
	p0 =	seq.s32 s7, s2  }
0x1e: {  	s7 =	smul.u32 @!p0 $0xF7A, s2;
	p2 =	seq.s32 @!p0 s5, $0x0  }
0x1f: {  	s9 =	smul.u32 $0xF7A, s1;
	s8 =	simm.s32 @!p0 $0x1BF5;
	p2 =	por !p2, p0  }
0x20: {  	[sflag:s8] =	ssyncset.s32 @!p0 $0xFFFFF086;
	s6 =	sadd.s32 @!p0 s3, s7;
	s7 =	simm.s32 @!p0 $0x108  }
0x21: {  	s3 =	sadd.s32 s3, s9;
	s6 =	sadd.s32 @!p0 $0x88, s6;
	s7 =	simm.s32 @p2 $0x1082  }
0x22: {  	[simem:s7], [sflag:s8] =	dma.local @!p0 [hbm:s6], $0xF7A  }
0x23: {  	s9 =	sor.u32 $0xD0000000, s2;
	s6 =	simm.s32 $0x108;
	_ =	swait.ge @!p0 [sflag:s8], $0x0  }
0x24: {  	s3 =	sadd.s32 $0x88, s3;
	s6 =	simm.s32 @!p1 $0x1082;
	[sflag:s4] =	ssyncset.s32 $0xFFFFF086  }
0x25: {  	[simem:s6], [sflag:s4] =	dma.local [hbm:s3], $0xF7A  }
0x26: {  	[smem:$0x3F9E] =	sst s1;
	(tag) =	ssettag s2;
	_ =	strace s9  }
0x27: {  	s1 =	sld [smem:$0x3FAE]  }
0x28: {  	s2 =	sld [smem:$0x3FAF]  }
0x29: {  	s4 =	sld [smem:$0x3FB1]  }
0x2a: {  	p0 =	seq.s32 s5, $0x0;
	s5 =	sld [smem:$0x3FB2]  }
0x2b: {  	s6 =	sld [smem:$0x3FB3]  }
0x2c: {  	s7 =	sld [smem:$0x3FB4]  }
0x2d: {  	s3 =	simm.s32 $0x108;
	s8 =	sld [smem:$0x3FB5]  }
0x2e: {  	s3 =	simm.s32 @!p0 $0x1082;
	s9 =	sld [smem:$0x3FB6]  }
0x2f: {  	lr =	sadd.s32 s0, s3;
	s0 =	sld [smem:$0x3FAD]  }
0x30: {  	s3 =	sld [smem:$0x3FB0]  }
0x31: {  	[smem:$0x3FB9] =	sst s10  }
0x32: {  	s10 =	sld [smem:$0x3FB7];
	_ =	sdelay $0x3  }
0x33: {  	p0 =	seq.s32 s10, $0x1;
	s10 =	sld [smem:$0x3FB9];
	_ =	sdelay $0x3  }
0x34: {  	[smem:$0x3FB9] =	sst s10  }
0x35: {  	s10 =	sld [smem:$0x3FB8];
	_ =	sdelay $0x3  }
0x36: {  	p1 =	seq.s32 s10, $0x1;
	s10 =	sld [smem:$0x3FB9];
	_ =	sdelay $0x3  }
0x37: {  	[smem:$0x3FB9] =	sst s10  }
0x38: {  	s10 =	sld [smem:$0x3FBA]  }
0x39: {  	_ = 	snop;
	(pc) =	sbr.ind lr, $3  }
0x3a: {  	_ = 	snop  }
0x3b: {  	_ = 	snop  }
0x3c: {  	p2 =	seq.s32 s10, $0x1;
	s10 =	sld [smem:$0x3FB9]  }
0x3d: {  	_ =	shalt  }
0x3e: {  	_ =	shalt  }
0x3f: {  	_ =	shalt  }
0x40: {  	_ =	shalt  }
0x41: {  	_ =	shalt  }
0x42: {  	_ =	shalt  }
0x43: {  	_ =	shalt  }
0x44: {  	_ =	shalt  }
0x45: {  	_ =	shalt  }
0x46: {  	_ =	shalt  }
0x47: {  	_ =	shalt  }
0x48: {  	_ =	shalt  }
0x49: {  	_ =	shalt  }
0x4a: {  	_ =	shalt  }
0x4b: {  	_ =	shalt  }
0x4c: {  	_ =	shalt  }
0x4d: {  	_ =	shalt  }
0x4e: {  	_ =	shalt  }
0x4f: {  	_ =	shalt  }
0x50: {  	_ =	shalt  }
0x51: {  	_ =	shalt  }
0x52: {  	_ =	shalt  }
0x53: {  	_ =	shalt  }
0x54: {  	_ =	shalt  }
0x55: {  	_ =	shalt  }
0x56: {  	_ =	shalt  }
0x57: {  	_ =	shalt  }
0x58: {  	_ =	shalt  }
0x59: {  	_ =	shalt  }
0x5a: {  	_ =	shalt  }
0x5b: {  	_ =	shalt  }
0x5c: {  	_ =	shalt  }
0x5d: {  	_ =	shalt  }
0x5e: {  	_ =	shalt  }
0x5f: {  	_ =	shalt  }
0x60: {  	_ =	shalt  }
0x61: {  	_ =	shalt  }
0x62: {  	_ =	shalt  }
0x63: {  	_ =	shalt  }
0x64: {  	_ =	shalt  }
0x65: {  	_ =	shalt  }
0x66: {  	_ =	shalt  }
0x67: {  	_ =	shalt  }
0x68: {  	_ =	shalt  }
0x69: {  	_ =	shalt  }
0x6a: {  	_ =	shalt  }
0x6b: {  	_ =	shalt  }
0x6c: {  	_ =	shalt  }
0x6d: {  	_ =	shalt  }
0x6e: {  	_ =	shalt  }
0x6f: {  	_ =	shalt  }
0x70: {  	_ =	shalt  }
0x71: {  	_ =	shalt  }
0x72: {  	_ =	shalt  }
0x73: {  	_ =	shalt  }
0x74: {  	_ =	shalt  }
0x75: {  	_ =	shalt  }
0x76: {  	_ =	shalt  }
0x77: {  	_ =	shalt  }
0x78: {  	_ =	shalt  }
0x79: {  	_ =	shalt  }
0x7a: {  	_ =	shalt  }
0x7b: {  	_ =	shalt  }
0x7c: {  	_ =	shalt  }
0x7d: {  	_ =	shalt  }
0x7e: {  	_ =	shalt  }
0x7f: {  	_ =	shalt  }
0x80: {  	_ =	shalt  }
0x81: {  	_ =	shalt  }
0x82: {  	_ =	shalt  }
0x83: {  	_ =	shalt  }
0x84: {  	_ =	shalt  }
0x85: {  	_ =	shalt  }
0x86: {  	_ =	shalt  }
0x87: {  	_ =	shalt  }
.Lfunc_end0:
.L_simem_size_0:
called_computation.1_lowered:
.L_overlay_start_0:
0x88: {  	s2 =	sld [smem:$0x3FD9]  }
0x89: {  	s3 =	sld [smem:$0x3FFE];
	_ =	sdelay $0x1  }
0x8a: {  	s1 =	srdreg.scid  }
0x8b: {  	s0 =	sand.u32 $0x1, s1  }
0x8c: {  	s17 =	sshll.u32 s0, $0xA;
	s2 =	sadd.s32 s3, s2  }
0x8d: {  	s2 =	sadd.s32 s2, s17  }
0x8e: {  	[smem:$0x3FC5] =	sst s2  }
0x8f: {  	_ = 	snop  }
0x90: {  	s2 =	sld [smem:$0x3FD0];
	(tm) =	ssettm $0x1  }
0x91: {  	s18 =	sld [smem:$0x3FFB];
	_ =	sdelay $0x3  }
0x92: {  	_ =	strace s18  }
0x93: {  	s3 =	sld [smem:$0x3FFC];
	_ =	sdelay $0x3  }
0x94: {  	_ =	strace s3  }
0x95: {  	s3 =	sld [smem:$0x3FFD];
	_ =	sdelay $0x3  }
0x96: {  	_ =	strace s3  }
0x97: {  	_ =	strace $0x8FFFFFFF  }
0x98: {  	s19 =	sld [smem:$0x3FDB];
	_ =	sdelay $0x1  }
0x99: {  	s4 =	simm.s32 $_scs_section_size  }
0x9a: {  	s5 =	simm.s32 $_size__tile_overlayer_lowered;
	s6 =	simm.s32 $_tile_overlayer_lowered  }
0x9b: {  	s22 =	simm.s32 $0x1BFF;
	s21 =	sshll.u32 s6, $0x1;
	s3 =	sadd.s32 s4, s19  }
0x9c: {  	s7 =	simm.s32 $0x0;
	s20 =	sshll.u32 s5, $0x1;
	s5 =	sadd.s32 s21, s3  }
0x9d: {  	[timem:s7], [sflag:s22] =	dma.local [hbm:s5], s20  }
0x9e: {  	_ =	swait.ge [sflag:s22], s20  }
0x9f: {  	s4 =	ssub.s32 $0x0, s20;
	[sflag:s22] =	ssyncset.done $0x0  }
0xa0: {  	[sflag:s22] =	ssyncadd.s32 s4;
	_ =	sdelay $0x1  }
0xa1: {  	s23 =	simm.s32 $0x1B8B  }
0xa2: {  	_ =	swait.ge [sflag:s23], $0x1  }
0xa3: {  	[sflag:s23] =	ssyncset.done $0x0  }
0xa4: {  	s25 =	simm.s32 $0x1B8E;
	s24 =	sld [smem:$0x3FFE];
	[sflag:s23] =	ssyncadd.s32 $0xFFFFFFFF  }
0xa5: {  	s26 =	simm.s32 $execute0_lowered;
	[smem:$0x3FD2] =	sst s25  }
0xa6: {  	s5 =	sshll.u32 s26, $0x1;
	_ =	strace $0x80000049;
	[dreg:$0x1] =	wrdreg $0xFFFFFFFF  }
0xa7: {  	s28 =	simm.s32 $_size_execute0_lowered;
	s3 =	sadd.s32 s3, s5;
	[dreg:$0x0] =	wrdreg $0x0  }
0xa8: {  	s5 =	sshll.u32 s28, $0x1;
	[dreg:$0x2] =	wrdreg s3  }
0xa9: {  	[dreg:$0x3] =	wrdreg s5  }
0xaa: {  	[dreg:$0x4] =	wrdreg $0xC0  }
0xab: {  	_ =	task [dreg:s7], $0x5FFFF  }
0xac: {  	[dreg:$0x1] =	wrdreg $0xFFFFFFFF  }
0xad: {  	[dreg:$0x0] =	wrdreg $0x60  }
0xae: {  	[dreg:$0x2] =	wrdreg s24  }
0xaf: {  	[dreg:$0x3] =	wrdreg s2  }
0xb0: {  	[dreg:$0x4] =	wrdreg $0x9  }
0xb1: {  	_ =	task.clear_ibuf [dreg:s7], $0x5FFFF;
	_ =	strace $0x90000049  }
0xb2: {  	s29 =	simm.s32 $0x9;
	_ =	strace $0x8000004B  }
0xb3: {  	_ =	swait.ge [sflag:s29], $0x1  }
0xb4: {  	[sflag:s29] =	ssyncadd.s32 $0xFFFFFFFF  }
0xb5: {  	_ =	strace $0x9000004B  }
0xb6: {  	_ =	sfence  }
0xb7: {  	s30 =	sld [smem:$0x0];
	_ =	sdelay $0x2  }
0xb8: {  	s31 =	sshll.u32 s1, $0xD;
	s1 =	sshrl.u32 s1, $0x2  }
0xb9: {  	s3 =	sand.u32 $0x4000, s31;
	s1 =	sadd.s32 s1, s30  }
0xba: {  	s0 =	sor.u32 s3, s0;
	s1 =	sshll.u32 s1, $0x11  }
0xbb: {  	s0 =	sor.u32 s1, s0  }
0xbc: {  	s0 =	sadd.s32 $0x8F2B, s0  }
0xbd: {  	[sflag:s0] =	ssyncadd.remote.s32 $0x1  }
0xbe: {  	_ =	sfence.sel $0xFFFF  }
0xbf: {  	[dreg:$0x0] =	wrdreg $0xFFFFFFFF;
	(pc) =	sbr.abs _section_cstart, $3  }
0xc0: {  	[dreg:$0x1] =	wrdreg $0xFFFFFFFF  }
0xc1: {  	_ =	task.clear_ibuf [dreg:s7], $0x2FFFF;
	_ =	strace $0x9FFFFFFF  }
0xc2: {  	(tm) =	ssettm $0x7FFFFFFF  }
0xc3: {  	_ =	shalt  }
tec
execute0_lowered:
.L_overlay_start_1:
0x0: {  	(tag) =	ssettag $0x1  }
0x1: {  	s0 =	srdreg.scid  }
0x2: {  	s2 =	stileid.u32;
	s1 =	rddreg [dreg:$0x0];
	s15 =	simm.s32 $0x5  }
0x3: {  	s17 =	simm.s32 $0x10200;
	s18 =	simm.s32 $0x4000;
	s19 =	simm.s32 $0x1  }
0x4: {  	s20 =	simm.s32 $0x10280;
	s21 =	simm.s32 $0x8000;
	s22 =	simm.s32 $0x2  }
0x5: {  	s23 =	simm.s32 $0xC000;
	s24 =	simm.s32 $0x3;
	s25 =	simm.s32 $0x4  }
0x6: {  	s26 =	simm.s32 $0x0;
	s0 =	sand.u32 $0x1, s0;
	s3 =	sshll.u32 s2, $0x1  }
0x7: {  	v0 =	vimm.s32 $0x3C3B3A39;
	s2 =	rddreg [dreg:$0x1];
	s4 =	sor.u32 s0, s3;
	s3 =	simm.s32 $0x0  }
0x8: {  	v2 =	vimm.s32 $0x34333231;
	v3 =	vimm.s32 $0x38373635;
	s0 =	ssub.s32 $0x2, s0;
	s5 =	smul.u32 $0x18, s4;
	[smem:$0x7FF] =	sst s3  }
0x9: {  	v1 =	vunpack.c.0.s8.s32 v0;
	v0 =	vimm.s32 $0x3F3F3E3D;
	s4 =	smul.u32 $0xC0000, s4;
	s31 =	sshrl.u32 s0, $0x1;
	_ =	strace $0x8000004A  }
0xa: {  	v2 =	vunpack.c.0.s8.s32 v2;
	v3 =	vunpack.c.0.s8.s32 v3;
	v4 =	vunpack.c.0.s8.s32 v0;
	s0 =	ssub.s32 s0, s31;
	s8 =	sadd.s32 s5, s1;
	s5 =	sadd.s32 $0x1400, s1  }
0xb: {  	v5 =	vlaneseq.u32;
	vm0 =	vcmask $0x1F10;
	s7 =	sshrl.u32 s4, $0x3;
	s10 =	sor.u32 $0x8000, s4;
	s11 =	sor.u32 $0x4000, s4  }
0xc: {  	v0 =	vadd.s32 $0x1, v5;
	v3 =	vsel vm0, v3, v2;
	v4 =	vsel vm0, v4, v1;
	s12 =	sor.u32 $0xC000, s4;
	s14 =	smax.u32 s0, $0x1;
	s7 =	sadd.s32 s2, s7  }
0xd: {  	v2 =	vadd.s32 $0x21, v5;
	v1 =	vadd.s32 $0x11, v5;
	v3 =	vcombine.low v3, v4;
	s6 =	sadd.s32 $0x1000, s8;
	s8 =	sadd.s32 $0xC00, s8;
	s9 =	sadd.s32 $0x800, s7  }
.LBB2_1:
0xe: {  	s0 =	simm.s32 $0x10000  }
0xf: {  	[tilespmem:s0], [sflag:$0x5] =	stream.linear.gather [hbm4b:s6+s3], $0xC0, $0x38;
	[tilespmem:$0x10380] =	vst v63  }
0x10: {  	_ =	swait.ge [sflag:s15], $0xC0  }
0x11: {  	[sflag:s15] =	ssyncset.done $0x0  }
0x12: {  	s31 =	simm.s32 $0x10100;
	[sflag:s15] =	ssyncadd.s32 $0xFFFFFF40  }
0x13: {  	[tilespmem:s31], [sflag:$0x5] =	stream.linear.gather [hbm4b:s8+s3], $0xC0, $0x38;
	[tilespmem:$0x10380] =	vst v63  }
0x14: {  	_ =	swait.ge [sflag:s15], $0xC0  }
0x15: {  	[sflag:s15] =	ssyncset.done $0x0  }
0x16: {  	[sflag:s15] =	ssyncadd.s32 $0xFFFFFF40  }
0x17: {  	v4 =	vld [tilespmem:$0x10000]  }
0x18: {  	v5 =	vld [tilespmem:$0x10100]  }
0x19: {  	v6 =	vld [tilespmem:$0x10010]  }
0x1a: {  	v7 =	vld [tilespmem:$0x10110]  }
0x1b: {  	v9 =	vld [tilespmem:$0x10130]  }
0x1c: {  	v8 =	vld [tilespmem:$0x10120]  }
0x1d: {  	v11 =	vld [tilespmem:$0x10030]  }
0x1e: {  	v10 =	vld [tilespmem:$0x10020];
	v5 =	vmul.f32 $3.999999910e-02, v5  }
0x1f: {  	v7 =	vmul.f32 $3.999999910e-02, v7  }
0x20: {  	v20 =	vmul.f32 $3.999999910e-02, v9;
	v4 =	vadd.f32 v5, v4  }
0x21: {  	v5 =	vmul.f32 $3.999999910e-02, v8;
	v6 =	vadd.f32 v7, v6  }
0x22: {  	v7 =	vadd.f32 v20, v11;
	[tilespmem:$0x10200] =	vst v4  }
0x23: {  	v5 =	vadd.f32 v5, v10;
	[tilespmem:$0x10210] =	vst v6  }
0x24: {  	[tilespmem:$0x10230] =	vst v7  }
0x25: {  	[tilespmem:$0x10220] =	vst v5  }
0x26: {  	v21 =	vld.idx.msk [tilespmem:v0+s17+$0x0], $0xffff;
	_ =	sdelay $0x4  }
0x27: {  	v8 =	vsub.f32 v21, v4;
	_ =	sdelay $0x1  }
0x28: {  	[tilespmem:$0x10240] =	vst v8  }
0x29: {  	v22 =	vld.idx.msk [tilespmem:v1+s17+$0x0], $0xffff;
	_ =	sdelay $0x4  }
0x2a: {  	v6 =	vsub.f32 v22, v6;
	_ =	sdelay $0x1  }
0x2b: {  	[tilespmem:$0x10250] =	vst v6  }
0x2c: {  	v6 =	vld.idx.msk [tilespmem:v2+s17+$0x0], $0xffff;
	_ =	sdelay $0x4  }
0x2d: {  	v13 =	vld [tilespmem:$0x10140];
	v5 =	vsub.f32 v6, v5  }
0x2e: {  	v16 =	vld [tilespmem:$0x10160]  }
0x2f: {  	v17 =	vld [tilespmem:$0x10170];
	[tilespmem:$0x10260] =	vst v5  }
0x30: {  	v5 =	vld.idx.msk [tilespmem:v3+s17+$0x0], $0xffff  }
0x31: {  	v28 =	vld [tilespmem:$0x10060]  }
0x32: {  	v23 =	vld [tilespmem:$0x10210]  }
0x33: {  	v25 =	vld [tilespmem:$0x10220]  }
0x34: {  	v24 =	vld [tilespmem:$0x10250]  }
0x35: {  	v26 =	vld [tilespmem:$0x10260];
	v5 =	vsub.f32 v5, v7  }
0x36: {  	v30 =	vld [tilespmem:$0x10070];
	v32 =	vmul.f32 $3.999999910e-02, v16  }
0x37: {  	v33 =	vmul.f32 $3.999999910e-02, v17;
	v4 =	vadd.s32 $0x8000, v4;
	v8 =	vadd.s32 $0x8000, v8;
	[tilespmem:$0x10270] =	vst v5;
	v5 =	vld [tilespmem:$0x10230]  }
0x38: {  	v4 =	vshrl.u32 v4, $0x10;
	v8 =	vand.u32 $0xFFFF0000, v8;
	v6 =	vadd.s32 $0x8000, v23;
	v27 =	vld [tilespmem:$0x10270]  }
0x39: {  	v15 =	vld [tilespmem:$0x10150];
	v4 =	vor.u32 v4, v8;
	v9 =	vadd.s32 $0x8000, v24;
	v6 =	vshrl.u32 v6, $0x10  }
0x3a: {  	v12 =	vld [tilespmem:$0x10040];
	v9 =	vand.u32 $0xFFFF0000, v9;
	v7 =	vadd.s32 $0x8000, v25;
	v10 =	vadd.s32 $0x8000, v26  }
0x3b: {  	v14 =	vld [tilespmem:$0x10050];
	v6 =	vor.u32 v6, v9;
	[tilespmem:$0x10280] =	vst v4;
	v7 =	vshrl.u32 v7, $0x10;
	v10 =	vand.u32 $0xFFFF0000, v10  }
0x3c: {  	v29 =	vmul.f32 $3.999999910e-02, v13;
	[tilespmem:$0x10290] =	vst v6;
	v6 =	vadd.f32 v33, v30;
	v7 =	vor.u32 v7, v10  }
0x3d: {  	[tilespmem:$0x102A0] =	vst v7;
	v7 =	vadd.f32 v32, v28;
	v4 =	vadd.s32 $0x8000, v5;
	v5 =	vadd.s32 $0x8000, v27  }
0x3e: {  	v31 =	vmul.f32 $3.999999910e-02, v15;
	[tilespmem:$0x10230] =	vst v6;
	v4 =	vshrl.u32 v4, $0x10;
	v5 =	vand.u32 $0xFFFF0000, v5  }
0x3f: {  	[tilespmem:$0x10220] =	vst v7;
	v4 =	vor.u32 v4, v5;
	v5 =	vadd.f32 v29, v12  }
0x40: {  	[tilespmem:$0x102B0] =	vst v4;
	v4 =	vadd.f32 v31, v14  }
0x41: {  	[tilespmem:$0x10200] =	vst v5  }
0x42: {  	[tilespmem:$0x10210] =	vst v4  }
0x43: {  	v34 =	vld.idx.msk [tilespmem:v0+s17+$0x0], $0xffff;
	_ =	sdelay $0x4  }
0x44: {  	v8 =	vsub.f32 v34, v5;
	_ =	sdelay $0x1  }
0x45: {  	[tilespmem:$0x10240] =	vst v8  }
0x46: {  	v35 =	vld.idx.msk [tilespmem:v1+s17+$0x0], $0xffff;
	_ =	sdelay $0x4  }
0x47: {  	v4 =	vsub.f32 v35, v4;
	_ =	sdelay $0x1  }
0x48: {  	[tilespmem:$0x10250] =	vst v4  }
0x49: {  	v4 =	vld.idx.msk [tilespmem:v2+s17+$0x0], $0xffff;
	_ =	sdelay $0x4  }
0x4a: {  	v42 =	vld [tilespmem:$0x10180];
	v4 =	vsub.f32 v4, v7  }
0x4b: {  	v45 =	vld [tilespmem:$0x101A0]  }
0x4c: {  	v46 =	vld [tilespmem:$0x101B0];
	[tilespmem:$0x10260] =	vst v4  }
0x4d: {  	v4 =	vld.idx.msk [tilespmem:v3+s17+$0x0], $0xffff  }
0x4e: {  	v47 =	vld [tilespmem:$0x100A0]  }
0x4f: {  	v38 =	vld [tilespmem:$0x10220]  }
0x50: {  	v36 =	vld [tilespmem:$0x10210]  }
0x51: {  	v37 =	vld [tilespmem:$0x10250]  }
0x52: {  	v39 =	vld [tilespmem:$0x10260];
	v4 =	vsub.f32 v4, v6  }
0x53: {  	v49 =	vld [tilespmem:$0x100B0];
	v51 =	vmul.f32 $3.999999910e-02, v45  }
0x54: {  	v52 =	vmul.f32 $3.999999910e-02, v46;
	v5 =	vadd.s32 $0x8000, v5;
	v8 =	vadd.s32 $0x8000, v8;
	[tilespmem:$0x10270] =	vst v4;
	v4 =	vld [tilespmem:$0x10230]  }
0x55: {  	v5 =	vshrl.u32 v5, $0x10;
	v8 =	vand.u32 $0xFFFF0000, v8;
	v7 =	vadd.s32 $0x8000, v36;
	v40 =	vld [tilespmem:$0x10270]  }
0x56: {  	v44 =	vld [tilespmem:$0x10190];
	v5 =	vor.u32 v5, v8;
	v9 =	vadd.s32 $0x8000, v37;
	v7 =	vshrl.u32 v7, $0x10  }
0x57: {  	v41 =	vld [tilespmem:$0x10080];
	v9 =	vand.u32 $0xFFFF0000, v9;
	v6 =	vadd.s32 $0x8000, v38;
	v10 =	vadd.s32 $0x8000, v39  }
0x58: {  	v43 =	vld [tilespmem:$0x10090];
	v7 =	vor.u32 v7, v9;
	[tilespmem:$0x102C0] =	vst v5;
	v6 =	vshrl.u32 v6, $0x10;
	v10 =	vand.u32 $0xFFFF0000, v10  }
0x59: {  	v48 =	vmul.f32 $3.999999910e-02, v42;
	[tilespmem:$0x102D0] =	vst v7;
	v7 =	vadd.f32 v52, v49;
	v6 =	vor.u32 v6, v10  }
0x5a: {  	[tilespmem:$0x102E0] =	vst v6;
	v6 =	vadd.f32 v51, v47;
	v4 =	vadd.s32 $0x8000, v4;
	v5 =	vadd.s32 $0x8000, v40  }
0x5b: {  	v50 =	vmul.f32 $3.999999910e-02, v44;
	[tilespmem:$0x10230] =	vst v7;
	v4 =	vshrl.u32 v4, $0x10;
	v5 =	vand.u32 $0xFFFF0000, v5  }
0x5c: {  	[tilespmem:$0x10220] =	vst v6;
	v4 =	vor.u32 v4, v5;
	v5 =	vadd.f32 v48, v41  }
0x5d: {  	[tilespmem:$0x102F0] =	vst v4;
	v4 =	vadd.f32 v50, v43  }
0x5e: {  	[tilespmem:$0x10200] =	vst v5  }
0x5f: {  	[tilespmem:$0x10210] =	vst v4  }
0x60: {  	v53 =	vld.idx.msk [tilespmem:v0+s17+$0x0], $0xffff;
	_ =	sdelay $0x4  }
0x61: {  	v8 =	vsub.f32 v53, v5;
	_ =	sdelay $0x1  }
0x62: {  	[tilespmem:$0x10240] =	vst v8  }
0x63: {  	v54 =	vld.idx.msk [tilespmem:v1+s17+$0x0], $0xffff;
	_ =	sdelay $0x4  }
0x64: {  	v4 =	vsub.f32 v54, v4;
	_ =	sdelay $0x1  }
0x65: {  	[tilespmem:$0x10250] =	vst v4  }
0x66: {  	v4 =	vld.idx.msk [tilespmem:v2+s17+$0x0], $0xffff;
	_ =	sdelay $0x4  }
0x67: {  	v4 =	vsub.f32 v4, v6;
	_ =	sdelay $0x1  }
0x68: {  	[tilespmem:$0x10260] =	vst v4  }
0x69: {  	v4 =	vld.idx.msk [tilespmem:v3+s17+$0x0], $0xffff;
	_ =	sdelay $0x2  }
0x6a: {  	v57 =	vld [tilespmem:$0x10220]  }
0x6b: {  	v55 =	vld [tilespmem:$0x10210]  }
0x6c: {  	v56 =	vld [tilespmem:$0x10250];
	v4 =	vsub.f32 v4, v7  }
0x6d: {  	v58 =	vld [tilespmem:$0x10260]  }
0x6e: {  	[tilespmem:$0x10270] =	vst v4;
	v4 =	vld [tilespmem:$0x10230]  }
0x6f: {  	v5 =	vadd.s32 $0x8000, v5;
	v8 =	vadd.s32 $0x8000, v8;
	v59 =	vld [tilespmem:$0x10270]  }
0x70: {  	v5 =	vshrl.u32 v5, $0x10;
	v8 =	vand.u32 $0xFFFF0000, v8  }
0x71: {  	v5 =	vor.u32 v5, v8;
	v6 =	vadd.s32 $0x8000, v55;
	v60 =	vadd.s32 $0x8000, v56  }
0x72: {  	v6 =	vshrl.u32 v6, $0x10;
	v8 =	vand.u32 $0xFFFF0000, v60;
	v7 =	vadd.s32 $0x8000, v57  }
0x73: {  	v6 =	vor.u32 v6, v8;
	v61 =	vadd.s32 $0x8000, v58;
	v7 =	vshrl.u32 v7, $0x10  }
0x74: {  	[tilespmem:$0x10300] =	vst v5;
	v5 =	vand.u32 $0xFFFF0000, v61;
	v4 =	vadd.s32 $0x8000, v4;
	v62 =	vadd.s32 $0x8000, v59  }
0x75: {  	[tilespmem:$0x10310] =	vst v6;
	v5 =	vor.u32 v7, v5;
	v4 =	vshrl.u32 v4, $0x10;
	v63 =	vand.u32 $0xFFFF0000, v62  }
0x76: {  	[tilespmem:$0x10320] =	vst v5;
	v4 =	vor.u32 v4, v63  }
0x77: {  	[tilespmem:$0x10330] =	vst v4  }
0x78: {  	[tilespmem:s3], [sflag:$0x1] =	stream.linear.gather [hbm4b:s7+s3], $0x4000, $0x38;
	[tilespmem:$0x10380] =	vst v63  }
0x79: {  	s28 =	simm.s32 $0x0  }
0x7a: {  	[tilespmem:s18], [sflag:$0x2] =	stream.linear.gather [hbm4b:s9+s3], $0x4000, $0x38;
	[tilespmem:$0x10380] =	vst v63  }
.LBB2_2:
0x7b: {  	_ =	swait.ge [sflag:s19], $0x4000  }
0x7c: {  	p0 =	seq.s32 s28, $0x0;
	[sflag:s19] =	ssyncset.done $0x0  }
0x7d: {  	s0 =	simm.s32 @!p0 $0x3;
	[sflag:s19] =	ssyncadd.s32 $0xFFFFC000  }
0x7e: {  	_ =	swait.ge @!p0 [sflag:s0], $0x4000  }
0x7f: {  	[sflag:s0] =	ssyncset.done @!p0 $0x0  }
0x80: {  	s16 =	simm.s32 $0x30;
	[sflag:s0] =	ssyncadd.s32 @!p0 $0xFFFFC000  }
0x81: {  	v4 =	vld [tilespmem:s16+$0x20]  }
0x82: {  	v5 =	vld [tilespmem:s16+$0xFFFFFFE0]  }
0x83: {  	v6 =	vld [tilespmem:s16+$0xFFFFFFF0]  }
0x84: {  	v7 =	vld [tilespmem:s16+$0x0]  }
0x85: {  	v9 =	vld [tilespmem:s16+$0x10]  }
0x86: {  	v10 =	vld [tilespmem:s16+$0xFFFFFFD0];
	_ =	sdelay $0x2  }
0x87: {  	v8 =	vmul.f32 $6.300000000e+01, v4;
	v12 =	vmul.f32 $6.300000000e+01, v5  }
0x88: {  	v6 =	vmul.f32 $6.300000000e+01, v6;
	v7 =	vmul.f32 $6.300000000e+01, v7  }
0x89: {  	v14 =	vmul.f32 $6.300000000e+01, v9;
	v9 =	vmul.f32 $6.300000000e+01, v10  }
0x8a: {  	s1 =	sshll.u32 s28, $0x3;
	v4 =	vtrunc.f32 v8;
	v13 =	vtrunc.f32 v12  }
0x8b: {  	s13 =	sand.u32 $0xC0, s1;
	v10 =	vtrunc.f32 v6;
	v11 =	vcvt.f32.s32 v4  }
0x8c: {  	v15 =	vtrunc.f32 v7;
	v4 =	vmov s13;
	v13 =	vcvt.f32.s32 v13  }
0x8d: {  	s16 =	simm.s32 $0x90;
	v16 =	vtrunc.f32 v9;
	v17 =	vtrunc.f32 v14;
	v5 =	vadd.s32 v11, v4  }
0x8e: {  	v21 =	vld [tilespmem:s16+$0xFFFFFFE0];
	v19 =	vadd.s32 v13, v4;
	v13 =	vcvt.s32.f32 v13;
	v11 =	vcvt.s32.f32 v11  }
0x8f: {  	v20 =	vld [tilespmem:s16+$0x20];
	v16 =	vcvt.f32.s32 v16;
	v10 =	vcvt.f32.s32 v10  }
0x90: {  	v15 =	vcvt.f32.s32 v15;
	v11 =	vsub.f32 v8, v11;
	v8 =	vsub.f32 v12, v13;
	v13 =	vld [tilespmem:s16+$0xFFFFFFD0]  }
0x91: {  	v25 =	vld [tilespmem:s16+$0x0];
	v17 =	vcvt.f32.s32 v17  }
0x92: {  	v22 =	vadd.s32 v10, v4;
	v24 =	vadd.s32 v15, v4;
	v18 =	vld.idx.msk [tilespmem:v5+s20+$0x0], $0xffff;
	v5 =	vcvt.s32.f32 v16  }
0x93: {  	v23 =	vld [tilespmem:s16+$0xFFFFFFF0];
	v26 =	vcvt.s32.f32 v15;
	v15 =	vmul.f32 $6.300000000e+01, v21;
	v16 =	vadd.s32 v16, v4  }
0x94: {  	v12 =	vcvt.s32.f32 v17;
	v5 =	vsub.f32 v9, v5;
	v9 =	vcvt.s32.f32 v10  }
0x95: {  	v28 =	vld [tilespmem:s16+$0x10];
	v27 =	vadd.s32 v17, v4;
	v10 =	vmul.f32 $6.300000000e+01, v20;
	v32 =	vmul.f32 $6.300000000e+01, v13  }
0x96: {  	v17 =	vmul.f32 $6.300000000e+01, v25;
	v9 =	vsub.f32 v6, v9;
	v6 =	vsub.f32 v7, v26  }
0x97: {  	v20 =	vtrunc.f32 v10;
	v7 =	vsub.f32 v14, v12;
	v12 =	vld.idx.msk [tilespmem:v19+s20+$0x0], $0xffff;
	v19 =	vtrunc.f32 v32  }
0x98: {  	v29 =	vmul.f32 v18, v11;
	v11 =	vld.idx.msk [tilespmem:v16+s20+$0x0], $0xffff;
	v16 =	vmul.f32 $6.300000000e+01, v23  }
0x99: {  	v33 =	vcvt.f32.s32 v20;
	v14 =	vshll.u32 v18, $0x10;
	v18 =	vtrunc.f32 v15  }
0x9a: {  	v20 =	vmul.f32 $6.300000000e+01, v28;
	v26 =	vcvt.f32.s32 v19  }
0x9b: {  	v31 =	vcvt.f32.s32 v18;
	v13 =	vtrunc.f32 v16;
	v34 =	vadd.s32 v33, v4  }
0x9c: {  	v28 =	vadd.f32 v14, v29;
	v14 =	vtrunc.f32 v17;
	v25 =	vtrunc.f32 v20  }
0x9d: {  	v36 =	vcvt.s32.f32 v26;
	v26 =	vadd.s32 v26, v4;
	v33 =	vcvt.s32.f32 v33  }
0x9e: {  	v19 =	vld.idx.msk [tilespmem:v22+s20+$0x0], $0xffff;
	v35 =	vcvt.f32.s32 v13;
	v23 =	vadd.s32 v31, v4;
	v30 =	vcvt.f32.s32 v14  }
0x9f: {  	s1 =	simm.s32 $0x8030;
	v29 =	vcvt.f32.s32 v25;
	v14 =	vld.idx.msk [tilespmem:v27+s20+$0x0], $0xffff;
	v31 =	vcvt.s32.f32 v31;
	v18 =	vshll.u32 v12, $0x10  }
0xa0: {  	s29 =	sshll.u32 s28, $0xF;
	s31 =	simm.s32 $0x8030;
	[tilespmem:s1+$0x20] =	vst v28;
	v27 =	vsub.f32 v32, v36;
	v21 =	vshll.u32 v11, $0x10;
	v25 =	vadd.s32 v35, v4;
	v28 =	vld.idx.msk [tilespmem:v34+s20+$0x0], $0xffff  }
0xa1: {  	s30 =	sadd.s32 s4, s29;
	s0 =	simm.s32 $0x60;
	s13 =	simm.s32 $0xF0;
	v13 =	vld.idx.msk [tilespmem:v24+s20+$0x0], $0xffff;
	v24 =	vadd.s32 v30, v4;
	v22 =	vadd.s32 v29, v4;
	v32 =	vcvt.s32.f32 v35  }
.LBB2_3:
0xa2: {  	v34 =	vld [tilespmem:s13+$0x20];
	s0 =	sadd.s32 $0x60, s0;
	v15 =	vsub.f32 v15, v31;
	v30 =	vcvt.s32.f32 v30;
	v29 =	vcvt.s32.f32 v29  }
0xa3: {  	v31 =	vld [tilespmem:s13+$0xFFFFFFE0];
	p1 =	slt.u32 s0, $0x3F60;
	v16 =	vsub.f32 v16, v32;
	v10 =	vsub.f32 v10, v33;
	v32 =	vmul.f32 v11, v5;
	v5 =	vmovc v27  }
0xa4: {  	v27 =	vld [tilespmem:s13+$0xFFFFFFF0];
	v11 =	vsub.f32 v17, v30;
	v17 =	vsub.f32 v20, v29;
	v20 =	vmul.f32 v12, v8;
	v8 =	vmovc v15  }
0xa5: {  	v33 =	vmul.f32 v19, v9;
	v30 =	vshll.u32 v19, $0x10;
	v29 =	vld [tilespmem:s13+$0x0];
	v12 =	vmul.f32 v28, v10;
	v9 =	vmovc v16  }
0xa6: {  	v36 =	vmul.f32 v14, v7;
	v15 =	vshll.u32 v28, $0x10;
	v28 =	vmul.f32 v13, v6;
	v35 =	vld [tilespmem:s13+$0x10];
	v6 =	vmovc v11;
	v7 =	vmovc v17  }
0xa7: {  	v37 =	vld [tilespmem:s13+$0xFFFFFFD0];
	v10 =	vmul.f32 $6.300000000e+01, v34;
	v17 =	vadd.f32 v15, v12;
	v34 =	vshll.u32 v13, $0x10  }
0xa8: {  	s1 =	sadd.s32 $0x60, s1;
	v13 =	vadd.f32 v21, v32;
	v21 =	vshll.u32 v14, $0x10;
	v15 =	vmul.f32 $6.300000000e+01, v31;
	v11 =	vld.idx.msk [tilespmem:v26+s20+$0x0], $0xffff  }
0xa9: {  	v18 =	vadd.f32 v18, v20;
	v16 =	vmul.f32 $6.300000000e+01, v27;
	v14 =	vtrunc.f32 v10;
	v12 =	vld.idx.msk [tilespmem:v23+s20+$0x0], $0xffff;
	[tilespmem:s1+$0x20] =	vst v17  }
0xaa: {  	v23 =	vadd.f32 v30, v33;
	v17 =	vmul.f32 $6.300000000e+01, v29;
	v38 =	vcvt.f32.s32 v14;
	v19 =	vld.idx.msk [tilespmem:v25+s20+$0x0], $0xffff;
	[tilespmem:s31+$0xFFFFFFD0] =	vst v13  }
0xab: {  	v25 =	vtrunc.f32 v15;
	v20 =	vmul.f32 $6.300000000e+01, v35;
	v13 =	vld.idx.msk [tilespmem:v24+s20+$0x0], $0xffff;
	[tilespmem:s31+$0xFFFFFFE0] =	vst v18;
	v18 =	vadd.f32 v34, v28  }
0xac: {  	v24 =	vtrunc.f32 v16;
	v27 =	vmul.f32 $6.300000000e+01, v37;
	v28 =	vadd.s32 v38, v4;
	v14 =	vld.idx.msk [tilespmem:v22+s20+$0x0], $0xffff;
	[tilespmem:s31+$0xFFFFFFF0] =	vst v23  }
0xad: {  	v22 =	vtrunc.f32 v17;
	v23 =	vadd.f32 v21, v36;
	v26 =	vtrunc.f32 v20;
	[tilespmem:s31+$0x0] =	vst v18  }
0xae: {  	v31 =	vcvt.f32.s32 v25;
	v21 =	vshll.u32 v11, $0x10;
	v18 =	vtrunc.f32 v27  }
.Ltmp0:
0xaf: {  	v32 =	vcvt.f32.s32 v24;
	v25 =	vcvt.f32.s32 v18;
	v18 =	vshll.u32 v12, $0x10;
	[tilespmem:s31+$0x10] =	vst v23;
	s31 =	smov.u32 s1;
	(pc) =	sbr.rel @p1 .LBB2_3-.Ltmp0, $4  }
0xb0: {  	v30 =	vcvt.f32.s32 v22;
	v29 =	vcvt.f32.s32 v26;
	v23 =	vadd.s32 v31, v4  }
0xb1: {  	v33 =	vcvt.s32.f32 v25;
	v26 =	vadd.s32 v25, v4;
	v25 =	vadd.s32 v32, v4;
	v28 =	vld.idx.msk [tilespmem:v28+s20+$0x0], $0xffff  }
0xb2: {  	v31 =	vcvt.s32.f32 v31;
	v24 =	vadd.s32 v30, v4;
	v22 =	vadd.s32 v29, v4  }
0xb3: {  	s13 =	sadd.s32 $0x60, s13;
	v32 =	vcvt.s32.f32 v32;
	v27 =	vsub.f32 v27, v33;
	v33 =	vcvt.s32.f32 v38  }
0xb4: {  	_ =	sdelay $0x2  }
0xb5: {  	v30 =	vcvt.s32.f32 v30;
	v29 =	vcvt.s32.f32 v29  }
0xb6: {  	v15 =	vsub.f32 v15, v31;
	v5 =	vmul.f32 v11, v5;
	v26 =	vld.idx.msk [tilespmem:v26+s20+$0x0], $0xffff;
	v8 =	vmul.f32 v12, v8  }
0xb7: {  	v52 =	vld.idx.msk [tilespmem:v23+s20+$0x0], $0xffff;
	v9 =	vmul.f32 v19, v9;
	v55 =	vshll.u32 v19, $0x10;
	v6 =	vmul.f32 v13, v6  }
0xb8: {  	v54 =	vld.idx.msk [tilespmem:v25+s20+$0x0], $0xffff;
	v7 =	vmul.f32 v14, v7;
	v10 =	vsub.f32 v10, v33;
	v5 =	vadd.f32 v21, v5  }
0xb9: {  	v56 =	vld.idx.msk [tilespmem:v24+s20+$0x0], $0xffff;
	v57 =	vshll.u32 v13, $0x10;
	v59 =	vshll.u32 v14, $0x10;
	v8 =	vadd.f32 v18, v8  }
0xba: {  	v16 =	vsub.f32 v16, v32;
	v6 =	vadd.f32 v57, v6;
	v10 =	vmul.f32 v28, v10;
	[tilespmem:s31+$0xFFFFFFD0] =	vst v5  }
0xbb: {  	v58 =	vld.idx.msk [tilespmem:v22+s20+$0x0], $0xffff;
	v51 =	vshll.u32 v28, $0x10;
	v17 =	vsub.f32 v17, v30;
	v5 =	vadd.f32 v55, v9;
	[tilespmem:s31+$0xFFFFFFE0] =	vst v8  }
0xbc: {  	v53 =	vsub.f32 v20, v29;
	[tilespmem:s31+$0x0] =	vst v6;
	v10 =	vadd.f32 v51, v10;
	v60 =	vmul.f32 v26, v27  }
0xbd: {  	s16 =	sadd.s32 $0x60, s1;
	v61 =	vmul.f32 v52, v15;
	[tilespmem:s31+$0xFFFFFFF0] =	vst v5;
	v5 =	vadd.f32 v59, v7;
	v7 =	vshll.u32 v26, $0x10  }
0xbe: {  	v6 =	vshll.u32 v52, $0x10;
	v62 =	vmul.f32 v54, v16;
	[tilespmem:s16+$0x20] =	vst v10;
	v7 =	vadd.f32 v7, v60  }
0xbf: {  	v63 =	vmul.f32 v56, v17;
	v6 =	vadd.f32 v6, v61;
	[tilespmem:s31+$0x10] =	vst v5;
	v5 =	vshll.u32 v54, $0x10  }
0xc0: {  	v12 =	vmul.f32 v58, v53;
	v10 =	vshll.u32 v56, $0x10;
	[tilespmem:s16+$0xFFFFFFD0] =	vst v7;
	v5 =	vadd.f32 v5, v62  }
0xc1: {  	v7 =	vshll.u32 v58, $0x10;
	[tilespmem:s16+$0xFFFFFFE0] =	vst v6;
	v6 =	vadd.f32 v10, v63  }
0xc2: {  	[tilespmem:s16+$0xFFFFFFF0] =	vst v5;
	v5 =	vadd.f32 v7, v12  }
0xc3: {  	[tilespmem:s16+$0x0] =	vst v6  }
0xc4: {  	s0 =	simm.s32 $0x3FB0;
	s1 =	simm.s32 $0xBFC0;
	s13 =	simm.s32 $0x3FC0;
	[tilespmem:s16+$0x10] =	vst v5  }
.LBB2_5:
0xc5: {  	v5 =	vld [tilespmem:s13+$0x0];
	_ =	sdelay $0x4  }
0xc6: {  	v5 =	vmul.f32 $6.300000000e+01, v5;
	_ =	sdelay $0x1  }
0xc7: {  	v6 =	vtrunc.f32 v5  }
0xc8: {  	v6 =	vcvt.f32.s32 v6;
	_ =	sdelay $0x1  }
0xc9: {  	v7 =	vadd.s32 v6, v4;
	_ =	sdelay $0x4  }
0xca: {  	v7 =	vld.idx.msk [tilespmem:v7+s20+$0x0], $0xffff  }
0xcb: {  	v6 =	vcvt.s32.f32 v6;
	_ =	sdelay $0x1  }
0xcc: {  	s0 =	sadd.s32 $0x10, s0;
	v5 =	vsub.f32 v5, v6  }
0xcd: {  	p1 =	slt.u32 s0, $0x3FF0  }
.Ltmp1:
0xce: {  	v5 =	vmul.f32 v7, v5;
	(pc) =	sbr.rel @p1 .LBB2_5-.Ltmp1, $3  }
0xcf: {  	v6 =	vshll.u32 v7, $0x10  }
0xd0: {  	v5 =	vadd.f32 v6, v5;
	_ =	sdelay $0x1  }
0xd1: {  	s13 =	sadd.s32 $0x10, s13;
	[tilespmem:s1+$0x0] =	vst v5;
	s1 =	sadd.s32 $0x10, s1  }
0xd2: {  	p1 =	seq.s32 s28, $0x17  }
0xd3: {  	s0 =	sadd.s32 @!p1 s29, s10  }
0xd4: {  	s0 =	sshrl.u32 @!p1 s0, $0x3  }
0xd5: {  	s1 =	simm.s32 @!p1 $0x0;
	s0 =	sadd.s32 @!p1 s2, s0  }
0xd6: {  	[tilespmem:s1], [sflag:$0x1] =	stream.linear.gather @!p1 [hbm4b:s0+s1], $0x4000, $0x38;
	[tilespmem:$0x10380] =	vst v63  }
0xd7: {  	s1 =	sshrl.u32 s30, $0x3  }
0xd8: {  	s0 =	sadd.s32 s5, s1  }
0xd9: {  	[hbm4b:s0+s3] =	stream.linear.scatter [tilespmem:s21], [sflag:$0x3], $0x4000, $0x38;
	[tilespmem:$0x10380] =	vst v63  }
0xda: {  	_ =	swait.ge [sflag:s22], $0x4000  }
0xdb: {  	[sflag:s22] =	ssyncset.done $0x0  }
0xdc: {  	s0 =	simm.s32 @!p0 $0x4;
	[sflag:s22] =	ssyncadd.s32 $0xFFFFC000  }
0xdd: {  	_ =	swait.ge @!p0 [sflag:s0], $0x4000  }
0xde: {  	[sflag:s0] =	ssyncset.done @!p0 $0x0  }
0xdf: {  	s13 =	simm.s32 $0x4030;
	[sflag:s0] =	ssyncadd.s32 @!p0 $0xFFFFC000  }
0xe0: {  	v5 =	vld [tilespmem:s13+$0x20]  }
0xe1: {  	v6 =	vld [tilespmem:s13+$0xFFFFFFE0]  }
0xe2: {  	v7 =	vld [tilespmem:s13+$0xFFFFFFF0]  }
0xe3: {  	v8 =	vld [tilespmem:s13+$0x0];
	_ =	sdelay $0x2  }
0xe4: {  	v10 =	vld [tilespmem:s13+$0xFFFFFFD0]  }
0xe5: {  	v9 =	vmul.f32 $6.300000000e+01, v5;
	v5 =	vld [tilespmem:s13+$0x10];
	v6 =	vmul.f32 $6.300000000e+01, v6  }
0xe6: {  	s16 =	simm.s32 $0x4090;
	v7 =	vmul.f32 $6.300000000e+01, v7;
	v13 =	vmul.f32 $6.300000000e+01, v8  }
0xe7: {  	v21 =	vld [tilespmem:s16+$0xFFFFFFE0];
	v11 =	vtrunc.f32 v9;
	v8 =	vtrunc.f32 v6  }
0xe8: {  	v15 =	vtrunc.f32 v13;
	v11 =	vcvt.f32.s32 v11  }
0xe9: {  	v8 =	vcvt.f32.s32 v8;
	v15 =	vcvt.f32.s32 v15  }
0xea: {  	v14 =	vmul.f32 $6.300000000e+01, v5;
	v5 =	vmul.f32 $6.300000000e+01, v10  }
0xeb: {  	v19 =	vld [tilespmem:s16+$0x20];
	v12 =	vadd.s32 v11, v4;
	v10 =	vtrunc.f32 v7;
	v11 =	vcvt.s32.f32 v11  }
0xec: {  	v25 =	vadd.s32 v15, v4;
	v26 =	vcvt.s32.f32 v15;
	v15 =	vmul.f32 $6.300000000e+01, v21  }
0xed: {  	v10 =	vcvt.f32.s32 v10;
	v16 =	vtrunc.f32 v5  }
0xee: {  	v29 =	vld [tilespmem:s16+$0xFFFFFFD0];
	v17 =	vtrunc.f32 v14;
	v11 =	vsub.f32 v9, v11;
	v16 =	vcvt.f32.s32 v16  }
0xef: {  	v17 =	vcvt.f32.s32 v17;
	v23 =	vadd.s32 v10, v4;
	v24 =	vcvt.s32.f32 v10  }
0xf0: {  	v10 =	vmul.f32 $6.300000000e+01, v19;
	v18 =	vld.idx.msk [tilespmem:v12+s20+$0x0], $0xffff;
	v12 =	vadd.s32 v8, v4;
	v20 =	vcvt.s32.f32 v16  }
0xf1: {  	v22 =	vld [tilespmem:s16+$0xFFFFFFF0];
	v16 =	vadd.s32 v16, v4;
	v8 =	vcvt.s32.f32 v8;
	v27 =	vadd.s32 v17, v4  }
0xf2: {  	v17 =	vcvt.s32.f32 v17;
	v9 =	vsub.f32 v7, v24;
	v5 =	vsub.f32 v5, v20  }
0xf3: {  	v32 =	vmul.f32 $6.300000000e+01, v29;
	v8 =	vsub.f32 v6, v8;
	v6 =	vsub.f32 v13, v26  }
0xf4: {  	v20 =	vld [tilespmem:s16+$0x0];
	v13 =	vtrunc.f32 v10;
	v7 =	vsub.f32 v14, v17;
	v14 =	vtrunc.f32 v15  }
0xf5: {  	v28 =	vld [tilespmem:s16+$0x10];
	v33 =	vcvt.f32.s32 v13;
	v31 =	vcvt.f32.s32 v14  }
0xf6: {  	v19 =	vmul.f32 v18, v11;
	v11 =	vld.idx.msk [tilespmem:v16+s20+$0x0], $0xffff;
	v16 =	vmul.f32 $6.300000000e+01, v22  }
0xf7: {  	v13 =	vshll.u32 v18, $0x10;
	v34 =	vadd.s32 v33, v4;
	v18 =	vtrunc.f32 v32  }
0xf8: {  	v24 =	vadd.s32 v31, v4;
	v31 =	vcvt.s32.f32 v31;
	v33 =	vcvt.s32.f32 v33  }
0xf9: {  	v12 =	vld.idx.msk [tilespmem:v12+s20+$0x0], $0xffff;
	v14 =	vcvt.f32.s32 v18;
	v17 =	vmul.f32 $6.300000000e+01, v20  }
0xfa: {  	v20 =	vmul.f32 $6.300000000e+01, v28;
	v28 =	vadd.f32 v13, v19;
	v13 =	vtrunc.f32 v16  }
0xfb: {  	v19 =	vld.idx.msk [tilespmem:v23+s20+$0x0], $0xffff;
	v35 =	vcvt.f32.s32 v13;
	v36 =	vcvt.s32.f32 v14  }
0xfc: {  	v13 =	vld.idx.msk [tilespmem:v25+s20+$0x0], $0xffff;
	v21 =	vtrunc.f32 v17;
	v26 =	vtrunc.f32 v20;
	v22 =	vshll.u32 v11, $0x10  }
0xfd: {  	s1 =	simm.s32 $0xC030;
	v30 =	vcvt.f32.s32 v21;
	v29 =	vcvt.f32.s32 v26;
	v26 =	vadd.s32 v14, v4;
	v14 =	vld.idx.msk [tilespmem:v27+s20+$0x0], $0xffff  }
0xfe: {  	s31 =	simm.s32 $0xC030;
	[tilespmem:s1+$0x20] =	vst v28;
	v18 =	vshll.u32 v12, $0x10;
	v25 =	vadd.s32 v35, v4;
	v28 =	vld.idx.msk [tilespmem:v34+s20+$0x0], $0xffff;
	v27 =	vsub.f32 v32, v36  }
0xff: {  	s30 =	sadd.s32 s29, s11;
	s0 =	simm.s32 $0x60;
	s13 =	simm.s32 $0x40F0;
	v32 =	vcvt.s32.f32 v35;
	v23 =	vadd.s32 v30, v4;
	v21 =	vadd.s32 v29, v4  }
.LBB2_7:
0x100: {  	v34 =	vld [tilespmem:s13+$0x20];
	s0 =	sadd.s32 $0x60, s0;
	v15 =	vsub.f32 v15, v31;
	v30 =	vcvt.s32.f32 v30;
	v29 =	vcvt.s32.f32 v29  }
0x101: {  	v31 =	vld [tilespmem:s13+$0xFFFFFFE0];
	p0 =	slt.u32 s0, $0x3F60;
	v16 =	vsub.f32 v16, v32;
	v10 =	vsub.f32 v10, v33;
	v32 =	vmul.f32 v11, v5;
	v5 =	vmovc v27  }
0x102: {  	v27 =	vld [tilespmem:s13+$0xFFFFFFF0];
	v11 =	vsub.f32 v17, v30;
	v17 =	vsub.f32 v20, v29;
	v20 =	vmul.f32 v12, v8;
	v8 =	vmovc v15  }
0x103: {  	v33 =	vmul.f32 v19, v9;
	v30 =	vshll.u32 v19, $0x10;
	v29 =	vld [tilespmem:s13+$0x0];
	v12 =	vmul.f32 v28, v10;
	v9 =	vmovc v16  }
0x104: {  	v36 =	vmul.f32 v14, v7;
	v15 =	vshll.u32 v28, $0x10;
	v28 =	vmul.f32 v13, v6;
	v35 =	vld [tilespmem:s13+$0x10];
	v6 =	vmovc v11;
	v7 =	vmovc v17  }
0x105: {  	v37 =	vld [tilespmem:s13+$0xFFFFFFD0];
	v10 =	vmul.f32 $6.300000000e+01, v34;
	v17 =	vadd.f32 v15, v12;
	v34 =	vshll.u32 v13, $0x10  }
0x106: {  	s1 =	sadd.s32 $0x60, s1;
	v13 =	vadd.f32 v22, v32;
	v22 =	vshll.u32 v14, $0x10;
	v15 =	vmul.f32 $6.300000000e+01, v31;
	v11 =	vld.idx.msk [tilespmem:v26+s20+$0x0], $0xffff  }
0x107: {  	v18 =	vadd.f32 v18, v20;
	v16 =	vmul.f32 $6.300000000e+01, v27;
	v14 =	vtrunc.f32 v10;
	v12 =	vld.idx.msk [tilespmem:v24+s20+$0x0], $0xffff;
	[tilespmem:s1+$0x20] =	vst v17  }
0x108: {  	v24 =	vadd.f32 v30, v33;
	v17 =	vmul.f32 $6.300000000e+01, v29;
	v38 =	vcvt.f32.s32 v14;
	v19 =	vld.idx.msk [tilespmem:v25+s20+$0x0], $0xffff;
	[tilespmem:s31+$0xFFFFFFD0] =	vst v13  }
0x109: {  	v25 =	vtrunc.f32 v15;
	v20 =	vmul.f32 $6.300000000e+01, v35;
	v13 =	vld.idx.msk [tilespmem:v23+s20+$0x0], $0xffff;
	[tilespmem:s31+$0xFFFFFFE0] =	vst v18;
	v18 =	vadd.f32 v34, v28  }
0x10a: {  	v23 =	vtrunc.f32 v16;
	v27 =	vmul.f32 $6.300000000e+01, v37;
	v28 =	vadd.s32 v38, v4;
	v14 =	vld.idx.msk [tilespmem:v21+s20+$0x0], $0xffff;
	[tilespmem:s31+$0xFFFFFFF0] =	vst v24  }
0x10b: {  	v21 =	vtrunc.f32 v17;
	v24 =	vadd.f32 v22, v36;
	v26 =	vtrunc.f32 v20;
	[tilespmem:s31+$0x0] =	vst v18  }
0x10c: {  	v31 =	vcvt.f32.s32 v25;
	v22 =	vshll.u32 v11, $0x10;
	v18 =	vtrunc.f32 v27  }
.Ltmp2:
0x10d: {  	v32 =	vcvt.f32.s32 v23;
	v25 =	vcvt.f32.s32 v18;
	v18 =	vshll.u32 v12, $0x10;
	[tilespmem:s31+$0x10] =	vst v24;
	s31 =	smov.u32 s1;
	(pc) =	sbr.rel @p0 .LBB2_7-.Ltmp2, $4  }
0x10e: {  	v30 =	vcvt.f32.s32 v21;
	v29 =	vcvt.f32.s32 v26;
	v24 =	vadd.s32 v31, v4  }
0x10f: {  	v33 =	vcvt.s32.f32 v25;
	v26 =	vadd.s32 v25, v4;
	v25 =	vadd.s32 v32, v4;
	v28 =	vld.idx.msk [tilespmem:v28+s20+$0x0], $0xffff  }
0x110: {  	v31 =	vcvt.s32.f32 v31;
	v23 =	vadd.s32 v30, v4;
	v21 =	vadd.s32 v29, v4  }
0x111: {  	s13 =	sadd.s32 $0x60, s13;
	v32 =	vcvt.s32.f32 v32;
	v27 =	vsub.f32 v27, v33;
	v33 =	vcvt.s32.f32 v38  }
0x112: {  	_ =	sdelay $0x2  }
0x113: {  	v30 =	vcvt.s32.f32 v30;
	v29 =	vcvt.s32.f32 v29  }
0x114: {  	v15 =	vsub.f32 v15, v31;
	v5 =	vmul.f32 v11, v5;
	v26 =	vld.idx.msk [tilespmem:v26+s20+$0x0], $0xffff;
	v8 =	vmul.f32 v12, v8  }
0x115: {  	v52 =	vld.idx.msk [tilespmem:v24+s20+$0x0], $0xffff;
	v9 =	vmul.f32 v19, v9;
	v55 =	vshll.u32 v19, $0x10;
	v6 =	vmul.f32 v13, v6  }
0x116: {  	v54 =	vld.idx.msk [tilespmem:v25+s20+$0x0], $0xffff;
	v7 =	vmul.f32 v14, v7;
	v10 =	vsub.f32 v10, v33;
	v5 =	vadd.f32 v22, v5  }
0x117: {  	v56 =	vld.idx.msk [tilespmem:v23+s20+$0x0], $0xffff;
	v57 =	vshll.u32 v13, $0x10;
	v59 =	vshll.u32 v14, $0x10;
	v8 =	vadd.f32 v18, v8  }
0x118: {  	v16 =	vsub.f32 v16, v32;
	v6 =	vadd.f32 v57, v6;
	v10 =	vmul.f32 v28, v10;
	[tilespmem:s31+$0xFFFFFFD0] =	vst v5  }
0x119: {  	v58 =	vld.idx.msk [tilespmem:v21+s20+$0x0], $0xffff;
	v51 =	vshll.u32 v28, $0x10;
	v17 =	vsub.f32 v17, v30;
	v5 =	vadd.f32 v55, v9;
	[tilespmem:s31+$0xFFFFFFE0] =	vst v8  }
0x11a: {  	v53 =	vsub.f32 v20, v29;
	[tilespmem:s31+$0x0] =	vst v6;
	v10 =	vadd.f32 v51, v10;
	v60 =	vmul.f32 v26, v27  }
0x11b: {  	s16 =	sadd.s32 $0x60, s1;
	v61 =	vmul.f32 v52, v15;
	[tilespmem:s31+$0xFFFFFFF0] =	vst v5;
	v5 =	vadd.f32 v59, v7;
	v7 =	vshll.u32 v26, $0x10  }
0x11c: {  	v6 =	vshll.u32 v52, $0x10;
	v62 =	vmul.f32 v54, v16;
	[tilespmem:s16+$0x20] =	vst v10;
	v7 =	vadd.f32 v7, v60  }
0x11d: {  	v63 =	vmul.f32 v56, v17;
	v6 =	vadd.f32 v6, v61;
	[tilespmem:s31+$0x10] =	vst v5;
	v5 =	vshll.u32 v54, $0x10  }
0x11e: {  	v12 =	vmul.f32 v58, v53;
	v10 =	vshll.u32 v56, $0x10;
	[tilespmem:s16+$0xFFFFFFD0] =	vst v7;
	v5 =	vadd.f32 v5, v62  }
0x11f: {  	v7 =	vshll.u32 v58, $0x10;
	[tilespmem:s16+$0xFFFFFFE0] =	vst v6;
	v6 =	vadd.f32 v10, v63  }
0x120: {  	[tilespmem:s16+$0xFFFFFFF0] =	vst v5;
	v5 =	vadd.f32 v7, v12  }
0x121: {  	[tilespmem:s16+$0x0] =	vst v6  }
0x122: {  	s0 =	simm.s32 $0x3FB0;
	s1 =	simm.s32 $0xFFC0;
	s13 =	simm.s32 $0x7FC0;
	[tilespmem:s16+$0x10] =	vst v5  }
.LBB2_9:
0x123: {  	v5 =	vld [tilespmem:s13+$0x0];
	_ =	sdelay $0x4  }
0x124: {  	v5 =	vmul.f32 $6.300000000e+01, v5;
	_ =	sdelay $0x1  }
0x125: {  	v6 =	vtrunc.f32 v5  }
0x126: {  	v6 =	vcvt.f32.s32 v6;
	_ =	sdelay $0x1  }
0x127: {  	v7 =	vadd.s32 v6, v4;
	_ =	sdelay $0x4  }
0x128: {  	v7 =	vld.idx.msk [tilespmem:v7+s20+$0x0], $0xffff  }
0x129: {  	v6 =	vcvt.s32.f32 v6;
	_ =	sdelay $0x1  }
0x12a: {  	s0 =	sadd.s32 $0x10, s0;
	v5 =	vsub.f32 v5, v6  }
0x12b: {  	p0 =	slt.u32 s0, $0x3FF0  }
.Ltmp3:
0x12c: {  	v5 =	vmul.f32 v7, v5;
	(pc) =	sbr.rel @p0 .LBB2_9-.Ltmp3, $3  }
0x12d: {  	v6 =	vshll.u32 v7, $0x10  }
0x12e: {  	v5 =	vadd.f32 v6, v5;
	_ =	sdelay $0x1  }
0x12f: {  	s13 =	sadd.s32 $0x10, s13;
	[tilespmem:s1+$0x0] =	vst v5;
	s1 =	sadd.s32 $0x10, s1  }
0x130: {  	s28 =	sadd.s32 $0x1, s28  }
0x131: {  	s0 =	sadd.s32 @!p1 s29, s12;
	p0 =	sne.s32 s28, $0x18  }
.Ltmp4:
0x132: {  	s1 =	simm.s32 @!p1 $0x0;
	s0 =	sshrl.u32 @!p1 s0, $0x3;
	(pc) =	sbr.rel @p0 .LBB2_2-.Ltmp4, $4  }
0x133: {  	s13 =	simm.s32 @!p1 $0x4000;
	s31 =	sshrl.u32 s30, $0x3;
	s0 =	sadd.s32 @!p1 s2, s0  }
0x134: {  	[tilespmem:s13], [sflag:$0x2] =	stream.linear.gather @!p1 [hbm4b:s0+s1], $0x4000, $0x38;
	[tilespmem:$0x10380] =	vst v63  }
0x135: {  	s0 =	sadd.s32 s5, s31  }
0x136: {  	[hbm4b:s0+s3] =	stream.linear.scatter [tilespmem:s23], [sflag:$0x4], $0x4000, $0x38;
	[tilespmem:$0x10380] =	vst v63  }
0x137: {  	s26 =	sadd.s32 $0x1, s26  }
0x138: {  	_ =	swait.ge [sflag:s24], $0x4000;
	p0 =	sne.s32 s26, s14  }
.Ltmp5:
0x139: {  	[sflag:s24] =	ssyncset.done $0x0;
	(pc) =	sbr.rel @p0 .LBB2_1-.Ltmp5, $4  }
0x13a: {  	[sflag:s24] =	ssyncadd.s32 $0xFFFFC000  }
0x13b: {  	_ =	swait.ge [sflag:s25], $0x4000  }
0x13c: {  	[sflag:s25] =	ssyncset.done $0x0  }
0x13d: {  	[sflag:s25] =	ssyncadd.s32 $0xFFFFC000  }
0x13e: {  	_ =	sfence.sel $0x180000  }
0x13f: {  	[bflag:$0x0] =	sbarrier.arrive $0xFFFF  }
0x140: {  	_ =	strace $0x9000004A  }
0x141: {  	s0 =	stileid.u32;
	[bflag:$0x2] =	sbarrier.arrive $0xFFFF  }
0x142: {  	p0 =	sne.s32 s0, $0x0;
	s0 =	rddreg [dreg:$0x2]  }
0x143: {  	s0 =	sadd.s32 @!p0 $0x100000, s0  }
0x144: {  	[sflag:s0] =	ssyncadd.tile.s32 @!p0 $0x1;
	_ =	shalt  }
.Lfunc_end2:
_tile_overlayer_lowered:
.L_overlay_start_2:
0x145: {  	(tag) =	ssettag $0x2  }
0x146: {  	s0 =	rddreg [dreg:$0x0];
	s2 =	stileid.u32  }
0x147: {  	s1 =	rddreg [dreg:$0x1];
	p0 =	sne.s32 s2, $0x0  }
0x148: {  	s3 =	rddreg [dreg:$0x2];
	[bflag:$0x3] =	sbarrier.arrive $0xFFFF;
	s2 =	simm.s32 @!p0 $0x1C05  }
0x149: {  	[timem:s3], [sflag:s2] =	dma.local @!p0 [hbm:s0], s1  }
0x14a: {  	s0 =	simm.s32 @!p0 $0x5  }
0x14b: {  	_ =	swait.ge @!p0 [sflag:s0], s1  }
0x14c: {  	s1 =	ssub.s32 @!p0 $0x0, s1;
	[sflag:s0] =	ssyncset.done @!p0 $0x0  }
0x14d: {  	[sflag:s0] =	ssyncadd.s32 @!p0 s1  }
0x14e: {  	[bflag:$0x3] =	sbarrier.arrive $0xFFFF  }
0x14f: {  	_ =	shalt  }

// kernel: sparse-core-data-format-call.cloned.1.call-start
scs
called_computation_lowered:
.L_overlay_start_0:
0x0: {  	s2 =	sld [smem:$0x3FD9]  }
0x1: {  	s3 =	sld [smem:$0x3FFE];
	_ =	sdelay $0x1  }
0x2: {  	s1 =	srdreg.scid  }
0x3: {  	s0 =	sand.u32 $0x1, s1  }
0x4: {  	s19 =	sshll.u32 s0, $0xA;
	s2 =	sadd.s32 s3, s2  }
0x5: {  	s2 =	sadd.s32 s2, s19  }
0x6: {  	[smem:$0x3FC5] =	sst s2  }
0x7: {  	_ = 	snop  }
0x8: {  	s2 =	sld [smem:$0x3FC9]  }
0x9: {  	s20 =	sld [smem:$0x3FD0];
	(tm) =	ssettm $0x1  }
0xa: {  	s4 =	sld [smem:$0x3FFB];
	_ =	sdelay $0x3  }
0xb: {  	_ =	strace s4  }
0xc: {  	s4 =	sld [smem:$0x3FFC];
	_ =	sdelay $0x3  }
0xd: {  	_ =	strace s4  }
0xe: {  	s4 =	sld [smem:$0x3FFD];
	_ =	sdelay $0x3  }
0xf: {  	_ =	strace s4  }
0x10: {  	_ =	strace $0x8FFFFFFF  }
0x11: {  	s21 =	sld [smem:$0x3FDB];
	_ =	sdelay $0x1  }
0x12: {  	s5 =	simm.s32 $_scs_section_size  }
0x13: {  	s6 =	simm.s32 $_size__tile_overlayer_lowered;
	s7 =	simm.s32 $_tile_overlayer_lowered  }
0x14: {  	s24 =	simm.s32 $0x1BFF;
	s23 =	sshll.u32 s7, $0x1;
	s4 =	sadd.s32 s5, s21  }
0x15: {  	s8 =	simm.s32 $0x0;
	s22 =	sshll.u32 s6, $0x1;
	s6 =	sadd.s32 s23, s4  }
0x16: {  	[timem:s8], [sflag:s24] =	dma.local [hbm:s6], s22  }
0x17: {  	_ =	swait.ge [sflag:s24], s22  }
0x18: {  	s5 =	ssub.s32 $0x0, s22;
	[sflag:s24] =	ssyncset.done $0x0  }
0x19: {  	[sflag:s24] =	ssyncadd.s32 s5;
	_ =	sdelay $0x1  }
0x1a: {  	s25 =	simm.s32 $0x1B8B  }
0x1b: {  	_ =	swait.ge [sflag:s25], $0x1  }
0x1c: {  	[sflag:s25] =	ssyncset.done $0x0  }
0x1d: {  	s26 =	simm.s32 $0x1B8E;
	[sflag:s25] =	ssyncadd.s32 $0xFFFFFFFF  }
0x1e: {  	s27 =	simm.s32 $execute0_lowered;
	[smem:$0x3FD2] =	sst s26  }
0x1f: {  	s5 =	sshll.u32 s27, $0x1;
	_ =	strace $0x80000046;
	[dreg:$0x1] =	wrdreg $0xFFFFFFFF  }
0x20: {  	s28 =	simm.s32 $_size_execute0_lowered;
	s4 =	sadd.s32 s4, s5;
	[dreg:$0x0] =	wrdreg $0x0  }
0x21: {  	s5 =	sshll.u32 s28, $0x1;
	[dreg:$0x2] =	wrdreg s4  }
0x22: {  	[dreg:$0x3] =	wrdreg s5  }
0x23: {  	[dreg:$0x4] =	wrdreg $0xC0  }
0x24: {  	_ =	task [dreg:s8], $0x5FFFF  }
0x25: {  	[dreg:$0x1] =	wrdreg $0xFFFFFFFF  }
0x26: {  	[dreg:$0x0] =	wrdreg $0x60  }
0x27: {  	[dreg:$0x2] =	wrdreg s2  }
0x28: {  	[dreg:$0x3] =	wrdreg s20  }
0x29: {  	[dreg:$0x4] =	wrdreg $0x9  }
0x2a: {  	_ =	task.clear_ibuf [dreg:s8], $0x5FFFF;
	_ =	strace $0x90000046  }
0x2b: {  	s29 =	simm.s32 $0x9;
	_ =	strace $0x80000048  }
0x2c: {  	_ =	swait.ge [sflag:s29], $0x1  }
0x2d: {  	[sflag:s29] =	ssyncadd.s32 $0xFFFFFFFF  }
0x2e: {  	_ =	strace $0x90000048  }
0x2f: {  	_ =	sfence  }
0x30: {  	s30 =	sld [smem:$0x0];
	_ =	sdelay $0x2  }
0x31: {  	s31 =	sshll.u32 s1, $0xD;
	s1 =	sshrl.u32 s1, $0x2  }
0x32: {  	s3 =	sand.u32 $0x4000, s31;
	s1 =	sadd.s32 s1, s30  }
0x33: {  	s0 =	sor.u32 s3, s0;
	s1 =	sshll.u32 s1, $0x11  }
0x34: {  	s0 =	sor.u32 s1, s0  }
0x35: {  	s0 =	sadd.s32 $0x8F2B, s0  }
0x36: {  	[sflag:s0] =	ssyncadd.remote.s32 $0x1  }
0x37: {  	_ =	sfence.sel $0xFFFF  }
0x38: {  	[dreg:$0x0] =	wrdreg $0xFFFFFFFF;
	(pc) =	sbr.abs _section_cstart, $3  }
0x39: {  	[dreg:$0x1] =	wrdreg $0xFFFFFFFF  }
0x3a: {  	_ =	task.clear_ibuf [dreg:s8], $0x2FFFF;
	_ =	strace $0x9FFFFFFF  }
0x3b: {  	(tm) =	ssettm $0x7FFFFFFF  }
tec
execute0_lowered:
.L_overlay_start_1:
0x0: {  	(tag) =	ssettag $0x1  }
0x1: {  	s0 =	srdreg.scid  }
0x2: {  	s1 =	sshll.u32 s0, $0x4  }
0x3: {  	s2 =	rddreg [dreg:$0x0];
	s0 =	stileid.u32;
	s1 =	sand.u32 $0x10, s1  }
0x4: {  	s4 =	rddreg [dreg:$0x1];
	s1 =	sor.u32 s0, s1  }
0x5: {  	s7 =	simm.s32 $0x1;
	s8 =	simm.s32 $0x2;
	s3 =	sshll.u32 s1, $0x2  }
0x6: {  	s9 =	simm.s32 $0x0;
	s12 =	simm.s32 $0x0;
	s6 =	ssub.s32 $0x1800, s3  }
.Ltmp0:
0x7: {  	s11 =	simm.s32 $0x0;
	s5 =	sand.u32 $0x7C, s6;
	(pc) =	sbr.rel .LBB1_1-.Ltmp0, $4  }
0x8: {  	s1 =	rddreg [dreg:$0x2];
	_ =	strace $0x80000047;
	p0 =	sne.s32 s5, $0x0  }
0x9: {  	s6 =	sshrl.u32 s6, $0x7;
	s5 =	simm.s32 $0x1;
	s7 =	simm.s32 @!p0 $0x0  }
0xa: {  	s10 =	smov.u32 s3;
	[sflag:s5] =	ssyncpa.u1 $0x0;
	s6 =	sadd.s32 s7, s6  }
0xb: {  	[sflag:s8] =	ssyncpa.u1 $0x0;
	s8 =	simm.s32 $0x0;
	s7 =	sadd.s32 $0x1, s6  }
.LBB1_9:
0xc: {  	s14 =	sadd.s32 $0x80, s10  }
0xd: {  	p1 =	sgt.s32 s14, $0x17FF  }
0xe: {  	s14 =	smov.u32 @p1 s3;
	p1 =	sne.s32 s11, s7  }
.Ltmp1:
0xf: {  	p0 =	slt.u32 s11, $0x2;
	(pc) =	sbr.rel @!p1 .LBB1_10-.Ltmp1, $4  }
0x10: {  	s13 =	simm.s32 @!p0 $0x2  }
0x11: {  	s15 =	sadd.s32 $0x1, s11;
	_ =	swait.ge @!p0 [sflag:s13], $0x4000  }
0x12: {  	s12 =	smov.u32 s10;
	s9 =	sadd.s32 $0x4000, s9;
	[sflag:s13] =	ssyncset.done @!p0 $0x0  }
0x13: {  	s11 =	smov.u32 s15;
	s10 =	smov.u32 s14;
	[sflag:s13] =	ssyncadd.s32 @!p0 $0xFFFFC000  }
.LBB1_1:
0x14: {  	p0 =	sge.u32 s11, s6  }
0x15: {  	s13 =	sxor.u32 @!p0 $0xFFFFFFFF, s11  }
0x16: {  	s31 =	sadd.s32 $0xFFFFFFFF, s11;
	s14 =	sshll.u32 @!p0 s10, $0x9;
	s13 =	sshll.u32 @!p0 s13, $0xE  }
0x17: {  	s15 =	simm.s32 @!p0 $0x0;
	s14 =	sadd.s32 @!p0 s2, s14;
	s13 =	sand.u32 @!p0 $0x4000, s13  }
0x18: {  	[tilespmem:s13], [sflag:$0x1] =	stream.linear.gather @!p0 [hbm4b:s14+s15], $0x4000, $0x38;
	[tilespmem:$0x10000] =	vst v63  }
0x19: {  	p0 =	sge.u32 s31, s6  }
.Ltmp2:
0x1a: {  	_ = 	snop;
	(pc) =	sbr.rel @p0 .LBB1_9-.Ltmp2, $1  }
0x1b: {  	_ =	sdelay $0x3  }
0x1c: {  	s14 =	sand.u32 $0x4000, s9  }
0x1d: {  	_ =	swait.ge [sflag:s5], $0x4000;
	s15 =	sshll.u32 s11, $0xE;
	s16 =	simm.s32 $0x0  }
0x1e: {  	s13 =	sor.u32 $0x40, s14;
	[sflag:s5] =	ssyncset.done $0x0;
	s15 =	sand.u32 $0x4000, s15  }
0x1f: {  	s14 =	sor.u32 $0x8040, s14;
	[sflag:s5] =	ssyncadd.s32 $0xFFFFC000;
	s15 =	sor.u32 $0x8000, s15  }
.LBB1_3:
0x20: {  	s17 =	smov.u32 s14;
	s18 =	smov.u32 s13;
	s19 =	simm.s32 $0x0  }
.LBB1_4:
0x21: {  	v0 =	vmov s17;
	v2 =	vld [tilespmem:s18+$0x30]  }
0x22: {  	v4 =	vld [tilespmem:s18+$0xFFFFFFD0]  }
0x23: {  	v6 =	vld [tilespmem:s18+$0xFFFFFFE0]  }
0x24: {  	v7 =	vld [tilespmem:s18+$0xFFFFFFF0]  }
0x25: {  	s20 =	simm.s32 $0x0;
	v1 =	vld [tilespmem:s18+$0x0]  }
0x26: {  	v3 =	vld [tilespmem:s18+$0x10];
	[tilespmem:v0+s20+$0x30 ss:$0x1] =	vst.idx.msk $0xffff, v2  }
0x27: {  	v5 =	vld [tilespmem:s18+$0x20];
	[tilespmem:v0+s20+$0xFFFFFFD0 ss:$0x1] =	vst.idx.msk $0xffff, v4  }
0x28: {  	s21 =	sadd.s32 $0x80, s18;
	v2 =	vld [tilespmem:s18+$0xFFFFFFC0];
	[tilespmem:v0+s20+$0xFFFFFFE0 ss:$0x1] =	vst.idx.msk $0xffff, v6  }
0x29: {  	s22 =	simm.s32 $0x800;
	s23 =	simm.s32 $0x1000;
	v4 =	vld [tilespmem:s21+$0x30];
	[tilespmem:v0+s20+$0xFFFFFFF0 ss:$0x1] =	vst.idx.msk $0xffff, v7  }
.LBB1_5:
0x2a: {  	p0 =	sne.s32 s23, $0x3800;
	v6 =	vld [tilespmem:s21+$0xFFFFFFD0];
	[tilespmem:v0+s20+$0x0 ss:$0x1] =	vst.idx.msk $0xffff, v1  }
0x2b: {  	v7 =	vld [tilespmem:s21+$0xFFFFFFE0];
	[tilespmem:v0+s20+$0x10 ss:$0x1] =	vst.idx.msk $0xffff, v3  }
0x2c: {  	v8 =	vld [tilespmem:s21+$0xFFFFFFF0];
	[tilespmem:v0+s20+$0x20 ss:$0x1] =	vst.idx.msk $0xffff, v5  }
.Ltmp3:
0x2d: {  	v1 =	vld [tilespmem:s21+$0x0];
	[tilespmem:v0+s20+$0xFFFFFFC0 ss:$0x1] =	vst.idx.msk $0xffff, v2;
	s20 =	sshra.s32 s22, $0x2;
	s22 =	smov.u32 s23;
	(pc) =	sbr.rel @p0 .LBB1_5-.Ltmp3, $4  }
0x2e: {  	v3 =	vld [tilespmem:s21+$0x10];
	[tilespmem:v0+s20+$0x30 ss:$0x1] =	vst.idx.msk $0xffff, v4  }
0x2f: {  	[tilespmem:v0+s20+$0xFFFFFFD0 ss:$0x1] =	vst.idx.msk $0xffff, v6;
	v5 =	vld [tilespmem:s21+$0x20]  }
0x30: {  	v2 =	vld [tilespmem:s21+$0xFFFFFFC0];
	[tilespmem:v0+s20+$0xFFFFFFE0 ss:$0x1] =	vst.idx.msk $0xffff, v7;
	s21 =	sadd.s32 $0x80, s21  }
0x31: {  	s23 =	sadd.s32 $0x800, s23;
	v4 =	vld [tilespmem:s21+$0x30];
	[tilespmem:v0+s20+$0xFFFFFFF0 ss:$0x1] =	vst.idx.msk $0xffff, v8  }
0x32: {  	_ =	sdelay $0x3  }
0x33: {  	v6 =	vld [tilespmem:s21+$0xFFFFFFD0];
	[tilespmem:v0+s20+$0x0 ss:$0x1] =	vst.idx.msk $0xffff, v1  }
0x34: {  	v58 =	vld [tilespmem:s21+$0xFFFFFFE0];
	[tilespmem:v0+s20+$0x10 ss:$0x1] =	vst.idx.msk $0xffff, v3  }
0x35: {  	v59 =	vld [tilespmem:s21+$0xFFFFFFF0];
	[tilespmem:v0+s20+$0x20 ss:$0x1] =	vst.idx.msk $0xffff, v5  }
0x36: {  	s22 =	sshra.s32 s22, $0x2;
	v60 =	vld [tilespmem:s21+$0x0];
	[tilespmem:v0+s20+$0xFFFFFFC0 ss:$0x1] =	vst.idx.msk $0xffff, v2  }
0x37: {  	v61 =	vld [tilespmem:s21+$0x10];
	[tilespmem:v0+s22+$0x30 ss:$0x1] =	vst.idx.msk $0xffff, v4  }
0x38: {  	v62 =	vld [tilespmem:s21+$0x20];
	s19 =	sadd.s32 $0x1, s19;
	[tilespmem:v0+s22+$0xFFFFFFD0 ss:$0x1] =	vst.idx.msk $0xffff, v6  }
0x39: {  	v63 =	vld [tilespmem:s21+$0xFFFFFFC0];
	p0 =	sne.s32 s19, $0x4;
	[tilespmem:v0+s22+$0xFFFFFFE0 ss:$0x1] =	vst.idx.msk $0xffff, v58  }
.Ltmp4:
0x3a: {  	[tilespmem:v0+s22+$0xFFFFFFF0 ss:$0x1] =	vst.idx.msk $0xffff, v59;
	(pc) =	sbr.rel @p0 .LBB1_4-.Ltmp4, $4  }
0x3b: {  	[tilespmem:v0+s22+$0x0 ss:$0x1] =	vst.idx.msk $0xffff, v60  }
0x3c: {  	[tilespmem:v0+s22+$0x10 ss:$0x1] =	vst.idx.msk $0xffff, v61  }
0x3d: {  	[tilespmem:v0+s22+$0x20 ss:$0x1] =	vst.idx.msk $0xffff, v62  }
0x3e: {  	s18 =	sadd.s32 $0x400, s18;
	s17 =	sadd.s32 $0x80, s17;
	[tilespmem:v0+s22+$0xFFFFFFC0 ss:$0x1] =	vst.idx.msk $0xffff, v63  }
0x3f: {  	s16 =	sadd.s32 $0x1, s16  }
0x40: {  	p0 =	sne.s32 s16, $0x4  }
.Ltmp5:
0x41: {  	_ = 	snop;
	(pc) =	sbr.rel @p0 .LBB1_3-.Ltmp5, $2  }
0x42: {  	_ =	sdelay $0x2  }
0x43: {  	s13 =	sadd.s32 $0x1000, s13;
	s14 =	sadd.s32 $0x1000, s14  }
.Ltmp6:
0x44: {  	(pc) =	sbr.rel .LBB1_9-.Ltmp6, $4  }
0x45: {  	_ = 	snop  }
0x46: {  	s12 =	sshll.u32 s12, $0x9  }
0x47: {  	s12 =	sadd.s32 s4, s12  }
0x48: {  	[hbm4b:s12+s8] =	stream.linear.scatter [tilespmem:s15], [sflag:$0x2], $0x4000, $0x38;
	[tilespmem:$0x10000] =	vst v63  }
.LBB1_10:
0x49: {  	_ =	sfence.sel $0x180000  }
0x4a: {  	s2 =	simm.s32 $0x1;
	[bflag:$0x0] =	sbarrier.arrive $0xFFFF  }
0x4b: {  	s31 =	simm.s32 $0x2;
	[sflag:s2] =	ssyncpa.u1 $0x1  }
0x4c: {  	[sflag:s31] =	ssyncpa.u1 $0x1  }
0x4d: {  	p0 =	sne.s32 s0, $0x0;
	_ =	strace $0x90000047  }
0x4e: {  	s0 =	sadd.s32 @!p0 $0x100000, s1;
	[bflag:$0x2] =	sbarrier.arrive $0xFFFF  }
0x4f: {  	[sflag:s0] =	ssyncadd.tile.s32 @!p0 $0x1;
	_ =	shalt  }
.Lfunc_end1:
_tile_overlayer_lowered:
.L_overlay_start_2:
0x50: {  	(tag) =	ssettag $0x2  }
0x51: {  	s0 =	rddreg [dreg:$0x0];
	s2 =	stileid.u32  }
0x52: {  	s1 =	rddreg [dreg:$0x1];
	p0 =	sne.s32 s2, $0x0  }
0x53: {  	s3 =	rddreg [dreg:$0x2];
	[bflag:$0x3] =	sbarrier.arrive $0xFFFF;
	s2 =	simm.s32 @!p0 $0x1C01  }
0x54: {  	[timem:s3], [sflag:s2] =	dma.local @!p0 [hbm:s0], s1  }
0x55: {  	s0 =	simm.s32 @!p0 $0x1  }
0x56: {  	_ =	swait.ge @!p0 [sflag:s0], s1  }
0x57: {  	s1 =	ssub.s32 @!p0 $0x0, s1;
	[sflag:s0] =	ssyncset.done @!p0 $0x0  }
0x58: {  	[sflag:s0] =	ssyncadd.s32 @!p0 s1  }
0x59: {  	[bflag:$0x3] =	sbarrier.arrive $0xFFFF  }
0x5a: {  	_ =	shalt  }

</sc_bundles>
